<compile_context>
chip_gen: v7x
topology: tpu7x:2x2x1
jax: 0.10.2.dev20260603
libtpu: 0.0.44.dev20260713+nightly
codegen_flags: <defaults>
</compile_context>

<pallas_src>
import functools

import jax
import jax.numpy as jnp
from jax import lax
from jax.experimental import pallas as pl
from jax.experimental.pallas import tpu as pltpu
from jax.experimental.pallas import tpu_sc as plsc

_NUM_CODES = 8192
_DIM = 32
_EPS = 1e-6
_BETA = 0.25
_TB = 2048
_TBR = 8192


_STRIP = 2048


def _argmin_body(zb_ref, a2_ref, embt2_ref, b2_ref, idx_ref):
    zb = zb_ref[...]
    embt2 = embt2_ref[...]
    ab2 = lax.dot_general(zb, embt2, (((1,), (0,)), ((), ())),
                          preferred_element_type=jnp.float32)
    a2 = a2_ref[...]
    b2 = b2_ref[...]
    accv = None
    acci = None
    lane = lax.broadcasted_iota(jnp.int32, (_TB, 128), 1)
    for s in range(_NUM_CODES // _STRIP):
        mv = None
        for c in range(_STRIP // 128):
            lo = s * _STRIP + c * 128
            d = (a2 - ab2[:, lo:lo + 128]) + b2[:, lo:lo + 128]
            if c == 0:
                mv = d
                mc = jnp.zeros((_TB, 128), jnp.int32)
            else:
                lt = d < mv
                mv = jnp.where(lt, d, mv)
                mc = jnp.where(lt, c, mc)
        m = jnp.min(mv, axis=1, keepdims=True)
        mi_full = mc * 128 + lane + (s * _STRIP)
        mi = jnp.min(jnp.where(mv == m, mi_full, _NUM_CODES), axis=1,
                     keepdims=True)
        if s == 0:
            accv = m.astype(jnp.bfloat16).astype(jnp.float32)
            acci = mi
        else:
            take = m < accv
            accv = jnp.where(take, m, accv).astype(jnp.bfloat16).astype(jnp.float32)
            acci = jnp.where(take, mi, acci)
    idx_ref[...] = acci


def _argmin_call(zb, a2, embt, b2, interpret=False):
    n = zb.shape[0]
    return pl.pallas_call(
        _argmin_body,
        grid=(n // _TB,),
        in_specs=[
            pl.BlockSpec((_TB, _DIM), lambda i: (i, 0)),
            pl.BlockSpec((_TB, 1), lambda i: (i, 0)),
            pl.BlockSpec((_DIM, _NUM_CODES), lambda i: (0, 0)),
            pl.BlockSpec((1, _NUM_CODES), lambda i: (0, 0)),
        ],
        out_specs=pl.BlockSpec((_TB, 1), lambda i: (i, 0)),
        out_shape=jax.ShapeDtypeStruct((n, 1), jnp.int32),
        interpret=interpret,
    )(zb, a2, embt, b2)


def _sc_gather(embedding, idx_flat):
    n = idx_flat.shape[0]
    info = plsc.get_sparse_core_info()
    nc, ns = info.num_cores, info.num_subcores
    nw = nc * ns
    b_per_w = n // nw
    mesh = plsc.VectorSubcoreMesh(core_axis_name="c", subcore_axis_name="s")

    @functools.partial(
        pl.kernel,
        mesh=mesh,
        compiler_params=pltpu.CompilerParams(use_tc_tiling_on_sc=False),
        out_type=jax.ShapeDtypeStruct((n, _DIM), jnp.float32),
        scratch_types=[
            pltpu.VMEM((b_per_w,), jnp.int32),
            pltpu.VMEM((b_per_w, _DIM), jnp.float32),
            pltpu.SemaphoreType.DMA,
        ],
    )
    def gather_k(table_hbm, idx_hbm, out_hbm, idx_v, rows_v, sem):
        wid = lax.axis_index("s") * nc + lax.axis_index("c")
        base = wid * b_per_w
        pltpu.sync_copy(idx_hbm.at[pl.ds(base, b_per_w)], idx_v)
        pltpu.async_copy(table_hbm.at[idx_v], rows_v, sem).wait()
        pltpu.sync_copy(rows_v, out_hbm.at[pl.ds(base, b_per_w)])

    return gather_k(embedding, idx_flat)


def _rotation_body(z_ref, q_ref, zq_ref, loss_ref):
    z = z_ref[...]
    q = q_ref[...]
    zn = jnp.sqrt(jnp.sum(z * z, axis=1, keepdims=True))
    qn = jnp.sqrt(jnp.sum(q * q, axis=1, keepdims=True))
    z_hat = z / (zn + _EPS)
    q_hat = q / (qn + _EPS)
    v = z_hat - q_hat
    v = v / (jnp.sqrt(jnp.sum(v * v, axis=1, keepdims=True)) + _EPS)
    rz = z - 2.0 * jnp.sum(v * z, axis=1, keepdims=True) * v
    s = qn / (zn + _EPS)
    zq_ref[...] = s * rz

    @pl.when(pl.program_id(0) == 0)
    def _():
        loss_ref[...] = jnp.zeros((1, 1), jnp.float32)

    d = z - q
    loss_ref[...] += jnp.sum(d * d).reshape(1, 1)


def _rotation_call(z_flat, q_flat, interpret=False):
    n = z_flat.shape[0]
    return pl.pallas_call(
        _rotation_body,
        grid=(n // _TBR,),
        in_specs=[
            pl.BlockSpec((_TBR, _DIM), lambda i: (i, 0)),
            pl.BlockSpec((_TBR, _DIM), lambda i: (i, 0)),
        ],
        out_specs=[
            pl.BlockSpec((_TBR, _DIM), lambda i: (i, 0)),
            pl.BlockSpec((1, 1), lambda i: (0, 0)),
        ],
        out_shape=[
            jax.ShapeDtypeStruct((n, _DIM), jnp.float32),
            jax.ShapeDtypeStruct((1, 1), jnp.float32),
        ],
        interpret=interpret,
    )(z_flat, q_flat)


def kernel(z_e, embedding):
    b, d, h, w = z_e.shape
    n = b * h * w
    z_flat = jnp.transpose(z_e, (0, 2, 3, 1)).reshape(n, d)
    embt2 = embedding.T * 2.0
    zb = z_flat.astype(jnp.bfloat16)
    a2 = jnp.sum(z_flat ** 2, axis=1, keepdims=True)
    b2 = jnp.sum(embedding ** 2, axis=1).reshape(1, _NUM_CODES)

    idx2 = _argmin_call(zb, a2, embt2, b2)
    idx_flat = idx2.reshape(n)
    q_flat = _sc_gather(embedding, idx_flat)
    q_tilde, loss_sum = _rotation_call(z_flat, q_flat)

    commit_loss = loss_sum[0, 0] * (_BETA / (n * d))
    z_q = jnp.transpose(q_tilde.reshape(b, h, w, d), (0, 3, 1, 2))
    indices_out = idx_flat.reshape(b, h, w)
    return (z_q, indices_out, commit_loss)

# --- scband reference (transcript-rebuilt; emitter-appended) ---
"""Pipeline reference for scband-rotation-vq-25589415150076 (READ-ONLY COPY).

The authoritative reference and input builder live on the scoring server;
editing this copy changes nothing except your own understanding.
"""

import jax, jax.numpy as jnp
import numpy as np

NUM_CODES = 8192
DIM = 32
EPS = 1e-6


def setup_inputs(seed: int = 0) -> dict:
    key = jax.random.key(seed)
    k1, k2 = jax.random.split(key)
    z_e = jax.random.normal(k1, (8, DIM, 32, 32), dtype=jnp.float32)
    embedding = jax.random.normal(k2, (NUM_CODES, DIM), dtype=jnp.float32) * 0.01
    return {"z_e": z_e, "embedding": embedding}


def reference(z_e, embedding):
    b, d, h, w = z_e.shape
    # _flatten_spatial: (B, D, H, W) -> (B*H*W, D)
    z_flat = jnp.transpose(z_e, (0, 2, 3, 1)).reshape(-1, d)

    # EMACodebook.lookup: nearest-neighbour by squared L2 distance
    a2 = jnp.sum(z_flat ** 2, axis=1, keepdims=True)
    b2 = jnp.sum(embedding ** 2, axis=1)
    ab = z_flat @ embedding.T
    dist = a2 - 2.0 * ab + b2[None, :]
    indices = jnp.argmin(dist, axis=1)
    q_flat = jnp.take(embedding, indices, axis=0)

    # Rotation trick: q_tilde = sg[s * R] z_e, R = I - 2 v v^T (Householder)
    z_d = jax.lax.stop_gradient(z_flat)
    q_d = jax.lax.stop_gradient(q_flat)
    z_norm = jnp.linalg.norm(z_d, axis=1, keepdims=True)
    q_norm = jnp.linalg.norm(q_d, axis=1, keepdims=True)
    z_hat = z_d / (z_norm + EPS)
    q_hat = q_d / (q_norm + EPS)
    v = z_hat - q_hat
    v = v / (jnp.linalg.norm(v, axis=1, keepdims=True) + EPS)
    # R z = z - 2 (v . z) v, with v a stop-gradient constant per row
    rz = z_flat - 2.0 * jnp.sum(v * z_flat, axis=1, keepdims=True) * v
    s = jax.lax.stop_gradient(q_norm / (z_norm + EPS))
    q_tilde = s * rz

    # commitment loss (beta * ||z - sg[q]||^2) and codebook term (EMA handles codebook)
    beta = 0.25
    commit_loss = beta * jnp.mean((z_flat - jax.lax.stop_gradient(q_flat)) ** 2)

    # _unflatten_spatial: (N, D) -> (B, D, H, W)
    z_q = jnp.transpose(q_tilde.reshape(b, h, w, d), (0, 3, 1, 2))
    indices_out = indices.reshape(b, h, w)
    return (z_q, indices_out, commit_loss)

if __name__ == "__main__":
    import jax
    _d = setup_inputs()
    print(jax.jit(kernel)(*tuple(_d.values())))

</pallas_src>

<mosaic_0001>
#map = affine_map<(d0, d1) -> (0, 0)>
#map1 = affine_map<(d0, d1) -> (0)>
module attributes {stable_mosaic.version = 14 : i64} {
  func.func @gather_k(%arg0: i32, %arg1: i32, %arg2: memref<8192x32xf32, #tpu.memory_space<hbm>>, %arg3: memref<8192xi32, #tpu.memory_space<hbm>>, %arg4: memref<8192x32xf32, #tpu.memory_space<hbm>>, %arg5: memref<256xi32, #tpu.memory_space<vmem>>, %arg6: memref<256x32xf32, #tpu.memory_space<vmem>>, %arg7: memref<!tpu.dma_semaphore, #tpu.memory_space<semaphore_mem>>) attributes {dimension_semantics = [#tpu.dimension_semantics<core_parallel>, #tpu.dimension_semantics<subcore_parallel>], iteration_bounds = array<i64: 2, 16>, scalar_prefetch = 0 : i64, scratch_operands = 3 : i64, tpu.core_type = #tpu.core_type<sc_vector_subcore>, window_params = [{transform_indices = #map}, {transform_indices = #map1}, {transform_indices = #map}]} {
    %mul3A = arith.constant 2 : i32
    %mul3A_0 = arith.muli %arg1, %mul3A : i32
    %add3A = arith.addi %mul3A_0, %arg0 : i32
    %mul3A_1 = arith.constant 256 : i32
    %mul3A_2 = arith.muli %add3A, %mul3A_1 : i32
    "tpu.region"() ({
      %run_scoped3A = tpu.sem_alloc : memref<!tpu.dma_semaphore, #tpu.memory_space<semaphore_mem>>
      %dma_start3A_7 = tpu.memref_slice %arg3[%mul3A_2] : memref<8192xi32, #tpu.memory_space<hbm>> -> memref<256xi32, #tpu.memory_space<hbm>>
      %dma_start3A_8 = tpu.memref_slice %arg3[%mul3A_2] : memref<8192xi32, #tpu.memory_space<hbm>> -> memref<256xi32, #tpu.memory_space<hbm>>
      tpu.enqueue_dma source(%dma_start3A_8 : memref<256xi32, #tpu.memory_space<hbm>>) target(%arg5 : memref<256xi32, #tpu.memory_space<vmem>>) target_semaphore(%run_scoped3A : memref<!tpu.dma_semaphore, #tpu.memory_space<semaphore_mem>>)
      %dma_wait3A_9 = tpu.memref_slice %arg3[%mul3A_2] : memref<8192xi32, #tpu.memory_space<hbm>> -> memref<256xi32, #tpu.memory_space<hbm>>
      %dma_wait3A_10 = tpu.memref_slice %arg3[%mul3A_2] : memref<8192xi32, #tpu.memory_space<hbm>> -> memref<256xi32, #tpu.memory_space<hbm>>
      tpu.wait_dma2 semaphore(%run_scoped3A : memref<!tpu.dma_semaphore, #tpu.memory_space<semaphore_mem>>) src(%dma_wait3A_10 : memref<256xi32, #tpu.memory_space<hbm>>) dst(%arg5 : memref<256xi32, #tpu.memory_space<vmem>>)
      tpu.yield
    }) : () -> ()
    %dma_start3A = arith.constant 0 : i32
    %dma_start3A_3 = arith.constant 0 : i32
    %dma_start3A_4 = tpu.memref_slice %arg2[%dma_start3A, %dma_start3A_3] : memref<8192x32xf32, #tpu.memory_space<hbm>> -> memref<8192x32xf32, #tpu.memory_space<hbm>>
    tpu.enqueue_indirect_dma source(%dma_start3A_4 : memref<8192x32xf32, #tpu.memory_space<hbm>>) target(%arg6 : memref<256x32xf32, #tpu.memory_space<vmem>>) offsets(%arg5 : memref<256xi32, #tpu.memory_space<vmem>>) semaphore(%arg7 : memref<!tpu.dma_semaphore, #tpu.memory_space<semaphore_mem>>)
    %dma_wait3A = arith.constant 0 : i32
    %dma_wait3A_5 = arith.constant 0 : i32
    %dma_wait3A_6 = tpu.memref_slice %arg2[%dma_wait3A, %dma_wait3A_5] : memref<8192x32xf32, #tpu.memory_space<hbm>> -> memref<8192x32xf32, #tpu.memory_space<hbm>>
    tpu.wait_indirect_dma semaphore(%arg7 : memref<!tpu.dma_semaphore, #tpu.memory_space<semaphore_mem>>) src(%dma_wait3A_6 : memref<8192x32xf32, #tpu.memory_space<hbm>>) dst(%arg6 : memref<256x32xf32, #tpu.memory_space<vmem>>)
    "tpu.region"() ({
      %run_scoped3A = tpu.sem_alloc : memref<!tpu.dma_semaphore, #tpu.memory_space<semaphore_mem>>
      %dma_start3A_7 = arith.constant 0 : i32
      %dma_start3A_8 = tpu.memref_slice %arg4[%mul3A_2, %dma_start3A_7] : memref<8192x32xf32, #tpu.memory_space<hbm>> -> memref<256x32xf32, #tpu.memory_space<hbm>>
      %dma_start3A_9 = arith.constant 0 : i32
      %dma_start3A_10 = tpu.memref_slice %arg4[%mul3A_2, %dma_start3A_9] : memref<8192x32xf32, #tpu.memory_space<hbm>> -> memref<256x32xf32, #tpu.memory_space<hbm>>
      tpu.enqueue_dma source(%arg6 : memref<256x32xf32, #tpu.memory_space<vmem>>) target(%dma_start3A_10 : memref<256x32xf32, #tpu.memory_space<hbm>>) target_semaphore(%run_scoped3A : memref<!tpu.dma_semaphore, #tpu.memory_space<semaphore_mem>>)
      %dma_wait3A_11 = arith.constant 0 : i32
      %dma_wait3A_12 = tpu.memref_slice %arg4[%mul3A_2, %dma_wait3A_11] : memref<8192x32xf32, #tpu.memory_space<hbm>> -> memref<256x32xf32, #tpu.memory_space<hbm>>
      %dma_wait3A_13 = arith.constant 0 : i32
      %dma_wait3A_14 = tpu.memref_slice %arg4[%mul3A_2, %dma_wait3A_13] : memref<8192x32xf32, #tpu.memory_space<hbm>> -> memref<256x32xf32, #tpu.memory_space<hbm>>
      tpu.wait_dma2 semaphore(%run_scoped3A : memref<!tpu.dma_semaphore, #tpu.memory_space<semaphore_mem>>) src(%arg6 : memref<256x32xf32, #tpu.memory_space<vmem>>) dst(%dma_wait3A_14 : memref<256x32xf32, #tpu.memory_space<hbm>>)
      tpu.yield
    }) : () -> ()
    return
  }
}

module attributes {stable_mosaic.version = 14 : i64} {
  func.func @_argmin_body(%arg0: i32, %arg1: memref<2048x32xbf16, #tpu.memory_space<vmem>>, %arg2: memref<2048x1xf32, #tpu.memory_space<vmem>>, %arg3: memref<32x8192xf32, #tpu.memory_space<vmem>>, %arg4: memref<1x8192xf32, #tpu.memory_space<vmem>>, %arg5: memref<2048x1xi32, #tpu.memory_space<vmem>>) attributes {dimension_semantics = [#tpu.dimension_semantics<arbitrary>], iteration_bounds = array<i64: 4>, scalar_prefetch = 0 : i64, scratch_operands = 0 : i64, tpu.core_type = #tpu.core_type<tc>, window_params = [{transform_indices = @transform_0, window_bounds = array<i64: 2048, 32>}, {transform_indices = @transform_1, window_bounds = array<i64: 2048, 1>}, {pipeline_mode = #tpu.pipeline_mode<synchronous>, transform_indices = @transform_2, window_bounds = array<i64: 32, 8192>}, {pipeline_mode = #tpu.pipeline_mode<synchronous>, transform_indices = @transform_3, window_bounds = array<i64: 1, 8192>}, {transform_indices = @transform_4, window_bounds = array<i64: 2048, 1>}]} {
    %get3A = arith.constant 0 : index
    %get3A_0 = arith.constant 0 : index
    %get3A_1 = vector.load %arg1[%get3A, %get3A_0] : memref<2048x32xbf16, #tpu.memory_space<vmem>>, vector<2048x32xbf16>
    %get3A_2 = arith.constant 0 : index
    %get3A_3 = arith.constant 0 : index
    %get3A_4 = vector.load %arg3[%get3A_2, %get3A_3] : memref<32x8192xf32, #tpu.memory_space<vmem>>, vector<32x8192xf32>
    %dot_general3A = arith.constant dense<0.000000e+00> : vector<2048x8192xf32>
    %dot_general3A_5 = tpu.matmul %get3A_1, %get3A_4, %dot_general3A {dimension_numbers = #tpu.dot_dimension_numbers<[1], [0], [0], [1], [0, 0, 1, 1], [], []>, transpose_lhs_hint = false} : vector<2048x32xbf16>, vector<32x8192xf32>, vector<2048x8192xf32> -> vector<2048x8192xf32>
    %get3A_6 = arith.constant 0 : index
    %get3A_7 = arith.constant 0 : index
    %get3A_8 = vector.load %arg2[%get3A_6, %get3A_7] : memref<2048x1xf32, #tpu.memory_space<vmem>>, vector<2048x1xf32>
    %get3A_9 = arith.constant 0 : index
    %get3A_10 = arith.constant 0 : index
    %get3A_11 = vector.load %arg4[%get3A_9, %get3A_10] : memref<1x8192xf32, #tpu.memory_space<vmem>>, vector<1x8192xf32>
    %iota3A = tpu.iota {dimensions = array<i32: 1>} : vector<2048x128xi32>
    %slice3A = vector.extract_strided_slice %dot_general3A_5 {offsets = [0, 0], sizes = [2048, 128], strides = [1, 1]} : vector<2048x8192xf32> to vector<2048x128xf32>
    %sub3A = vector.broadcast %get3A_8 : vector<2048x1xf32> to vector<2048x128xf32>
    %sub3A_12 = arith.subf %sub3A, %slice3A : vector<2048x128xf32>
    %slice3A_13 = vector.extract_strided_slice %get3A_11 {offsets = [0, 0], sizes = [1, 128], strides = [1, 1]} : vector<1x8192xf32> to vector<1x128xf32>
    %add3A = vector.broadcast %slice3A_13 : vector<1x128xf32> to vector<2048x128xf32>
    %add3A_14 = arith.addf %sub3A_12, %add3A : vector<2048x128xf32>
    %broadcast_in_dim3A = arith.constant 0 : i32
    %broadcast_in_dim3A_15 = vector.broadcast %broadcast_in_dim3A : i32 to vector<2048x128xi32>
    %slice3A_16 = vector.extract_strided_slice %dot_general3A_5 {offsets = [0, 128], sizes = [2048, 128], strides = [1, 1]} : vector<2048x8192xf32> to vector<2048x128xf32>
    %sub3A_17 = vector.broadcast %get3A_8 : vector<2048x1xf32> to vector<2048x128xf32>
    %sub3A_18 = arith.subf %sub3A_17, %slice3A_16 : vector<2048x128xf32>
    %slice3A_19 = vector.extract_strided_slice %get3A_11 {offsets = [0, 128], sizes = [1, 128], strides = [1, 1]} : vector<1x8192xf32> to vector<1x128xf32>
    %add3A_20 = vector.broadcast %slice3A_19 : vector<1x128xf32> to vector<2048x128xf32>
    %add3A_21 = arith.addf %sub3A_18, %add3A_20 : vector<2048x128xf32>
    %lt3A = arith.cmpf olt, %add3A_21, %add3A_14 : vector<2048x128xf32>
    %select_n3A = arith.select %lt3A, %add3A_21, %add3A_14 : vector<2048x128xi1>, vector<2048x128xf32>
    %jit3A = arith.constant 1 : i32
    %broadcast_in_dim3A_22 = vector.broadcast %jit3A : i32 to vector<2048x128xi32>
    %select_n3A_23 = arith.select %lt3A, %broadcast_in_dim3A_22, %broadcast_in_dim3A_15 : vector<2048x128xi1>, vector<2048x128xi32>
    %slice3A_24 = vector.extract_strided_slice %dot_general3A_5 {offsets = [0, 256], sizes = [2048, 128], strides = [1, 1]} : vector<2048x8192xf32> to vector<2048x128xf32>
    %sub3A_25 = vector.broadcast %get3A_8 : vector<2048x1xf32> to vector<2048x128xf32>
    %sub3A_26 = arith.subf %sub3A_25, %slice3A_24 : vector<2048x128xf32>
    %slice3A_27 = vector.extract_strided_slice %get3A_11 {offsets = [0, 256], sizes = [1, 128], strides = [1, 1]} : vector<1x8192xf32> to vector<1x128xf32>
    %add3A_28 = vector.broadcast %slice3A_27 : vector<1x128xf32> to vector<2048x128xf32>
    %add3A_29 = arith.addf %sub3A_26, %add3A_28 : vector<2048x128xf32>
    %lt3A_30 = arith.cmpf olt, %add3A_29, %select_n3A : vector<2048x128xf32>
    %select_n3A_31 = arith.select %lt3A_30, %add3A_29, %select_n3A : vector<2048x128xi1>, vector<2048x128xf32>
    %jit3A_32 = arith.constant 2 : i32
    %broadcast_in_dim3A_33 = vector.broadcast %jit3A_32 : i32 to vector<2048x128xi32>
    %select_n3A_34 = arith.select %lt3A_30, %broadcast_in_dim3A_33, %select_n3A_23 : vector<2048x128xi1>, vector<2048x128xi32>
    %slice3A_35 = vector.extract_strided_slice %dot_general3A_5 {offsets = [0, 384], sizes = [2048, 128], strides = [1, 1]} : vector<2048x8192xf32> to vector<2048x128xf32>
    %sub3A_36 = vector.broadcast %get3A_8 : vector<2048x1xf32> to vector<2048x128xf32>
    %sub3A_37 = arith.subf %sub3A_36, %slice3A_35 : vector<2048x128xf32>
    %slice3A_38 = vector.extract_strided_slice %get3A_11 {offsets = [0, 384], sizes = [1, 128], strides = [1, 1]} : vector<1x8192xf32> to vector<1x128xf32>
    %add3A_39 = vector.broadcast %slice3A_38 : vector<1x128xf32> to vector<2048x128xf32>
    %add3A_40 = arith.addf %sub3A_37, %add3A_39 : vector<2048x128xf32>
    %lt3A_41 = arith.cmpf olt, %add3A_40, %select_n3A_31 : vector<2048x128xf32>
    %select_n3A_42 = arith.select %lt3A_41, %add3A_40, %select_n3A_31 : vector<2048x128xi1>, vector<2048x128xf32>
    %jit3A_43 = arith.constant 3 : i32
    %broadcast_in_dim3A_44 = vector.broadcast %jit3A_43 : i32 to vector<2048x128xi32>
    %select_n3A_45 = arith.select %lt3A_41, %broadcast_in_dim3A_44, %select_n3A_34 : vector<2048x128xi1>, vector<2048x128xi32>
    %slice3A_46 = vector.extract_strided_slice %dot_general3A_5 {offsets = [0, 512], sizes = [2048, 128], strides = [1, 1]} : vector<2048x8192xf32> to vector<2048x128xf32>
    %sub3A_47 = vector.broadcast %get3A_8 : vector<2048x1xf32> to vector<2048x128xf32>
    %sub3A_48 = arith.subf %sub3A_47, %slice3A_46 : vector<2048x128xf32>
    %slice3A_49 = vector.extract_strided_slice %get3A_11 {offsets = [0, 512], sizes = [1, 128], strides = [1, 1]} : vector<1x8192xf32> to vector<1x128xf32>
    %add3A_50 = vector.broadcast %slice3A_49 : vector<1x128xf32> to vector<2048x128xf32>
    %add3A_51 = arith.addf %sub3A_48, %add3A_50 : vector<2048x128xf32>
    %lt3A_52 = arith.cmpf olt, %add3A_51, %select_n3A_42 : vector<2048x128xf32>
    %select_n3A_53 = arith.select %lt3A_52, %add3A_51, %select_n3A_42 : vector<2048x128xi1>, vector<2048x128xf32>
    %jit3A_54 = arith.constant 4 : i32
    %broadcast_in_dim3A_55 = vector.broadcast %jit3A_54 : i32 to vector<2048x128xi32>
    %select_n3A_56 = arith.select %lt3A_52, %broadcast_in_dim3A_55, %select_n3A_45 : vector<2048x128xi1>, vector<2048x128xi32>
    %slice3A_57 = vector.extract_strided_slice %dot_general3A_5 {offsets = [0, 640], sizes = [2048, 128], strides = [1, 1]} : vector<2048x8192xf32> to vector<2048x128xf32>
    %sub3A_58 = vector.broadcast %get3A_8 : vector<2048x1xf32> to vector<2048x128xf32>
    %sub3A_59 = arith.subf %sub3A_58, %slice3A_57 : vector<2048x128xf32>
    %slice3A_60 = vector.extract_strided_slice %get3A_11 {offsets = [0, 640], sizes = [1, 128], strides = [1, 1]} : vector<1x8192xf32> to vector<1x128xf32>
    %add3A_61 = vector.broadcast %slice3A_60 : vector<1x128xf32> to vector<2048x128xf32>
    %add3A_62 = arith.addf %sub3A_59, %add3A_61 : vector<2048x128xf32>
    %lt3A_63 = arith.cmpf olt, %add3A_62, %select_n3A_53 : vector<2048x128xf32>
    %select_n3A_64 = arith.select %lt3A_63, %add3A_62, %select_n3A_53 : vector<2048x128xi1>, vector<2048x128xf32>
    %jit3A_65 = arith.constant 5 : i32
    %broadcast_in_dim3A_66 = vector.broadcast %jit3A_65 : i32 to vector<2048x128xi32>
    %select_n3A_67 = arith.select %lt3A_63, %broadcast_in_dim3A_66, %select_n3A_56 : vector<2048x128xi1>, vector<2048x128xi32>
    %slice3A_68 = vector.extract_strided_slice %dot_general3A_5 {offsets = [0, 768], sizes = [2048, 128], strides = [1, 1]} : vector<2048x8192xf32> to vector<2048x128xf32>
    %sub3A_69 = vector.broadcast %get3A_8 : vector<2048x1xf32> to vector<2048x128xf32>
    %sub3A_70 = arith.subf %sub3A_69, %slice3A_68 : vector<2048x128xf32>
    %slice3A_71 = vector.extract_strided_slice %get3A_11 {offsets = [0, 768], sizes = [1, 128], strides = [1, 1]} : vector<1x8192xf32> to vector<1x128xf32>
    %add3A_72 = vector.broadcast %slice3A_71 : vector<1x128xf32> to vector<2048x128xf32>
    %add3A_73 = arith.addf %sub3A_70, %add3A_72 : vector<2048x128xf32>
    %lt3A_74 = arith.cmpf olt, %add3A_73, %select_n3A_64 : vector<2048x128xf32>
    %select_n3A_75 = arith.select %lt3A_74, %add3A_73, %select_n3A_64 : vector<2048x128xi1>, vector<2048x128xf32>
    %jit3A_76 = arith.constant 6 : i32
    %broadcast_in_dim3A_77 = vector.broadcast %jit3A_76 : i32 to vector<2048x128xi32>
    %select_n3A_78 = arith.select %lt3A_74, %broadcast_in_dim3A_77, %select_n3A_67 : vector<2048x128xi1>, vector<2048x128xi32>
    %slice3A_79 = vector.extract_strided_slice %dot_general3A_5 {offsets = [0, 896], sizes = [2048, 128], strides = [1, 1]} : vector<2048x8192xf32> to vector<2048x128xf32>
    %sub3A_80 = vector.broadcast %get3A_8 : vector<2048x1xf32> to vector<2048x128xf32>
    %sub3A_81 = arith.subf %sub3A_80, %slice3A_79 : vector<2048x128xf32>
    %slice3A_82 = vector.extract_strided_slice %get3A_11 {offsets = [0, 896], sizes = [1, 128], strides = [1, 1]} : vector<1x8192xf32> to vector<1x128xf32>
    %add3A_83 = vector.broadcast %slice3A_82 : vector<1x128xf32> to vector<2048x128xf32>
    %add3A_84 = arith.addf %sub3A_81, %add3A_83 : vector<2048x128xf32>
    %lt3A_85 = arith.cmpf olt, %add3A_84, %select_n3A_75 : vector<2048x128xf32>
    %select_n3A_86 = arith.select %lt3A_85, %add3A_84, %select_n3A_75 : vector<2048x128xi1>, vector<2048x128xf32>
    %jit3A_87 = arith.constant 7 : i32
    %broadcast_in_dim3A_88 = vector.broadcast %jit3A_87 : i32 to vector<2048x128xi32>
    %select_n3A_89 = arith.select %lt3A_85, %broadcast_in_dim3A_88, %select_n3A_78 : vector<2048x128xi1>, vector<2048x128xi32>
    %slice3A_90 = vector.extract_strided_slice %dot_general3A_5 {offsets = [0, 1024], sizes = [2048, 128], strides = [1, 1]} : vector<2048x8192xf32> to vector<2048x128xf32>
    %sub3A_91 = vector.broadcast %get3A_8 : vector<2048x1xf32> to vector<2048x128xf32>
    %sub3A_92 = arith.subf %sub3A_91, %slice3A_90 : vector<2048x128xf32>
    %slice3A_93 = vector.extract_strided_slice %get3A_11 {offsets = [0, 1024], sizes = [1, 128], strides = [1, 1]} : vector<1x8192xf32> to vector<1x128xf32>
    %add3A_94 = vector.broadcast %slice3A_93 : vector<1x128xf32> to vector<2048x128xf32>
    %add3A_95 = arith.addf %sub3A_92, %add3A_94 : vector<2048x128xf32>
    %lt3A_96 = arith.cmpf olt, %add3A_95, %select_n3A_86 : vector<2048x128xf32>
    %select_n3A_97 = arith.select %lt3A_96, %add3A_95, %select_n3A_86 : vector<2048x128xi1>, vector<2048x128xf32>
    %jit3A_98 = arith.constant 8 : i32
    %broadcast_in_dim3A_99 = vector.broadcast %jit3A_98 : i32 to vector<2048x128xi32>
    %select_n3A_100 = arith.select %lt3A_96, %broadcast_in_dim3A_99, %select_n3A_89 : vector<2048x128xi1>, vector<2048x128xi32>
    %slice3A_101 = vector.extract_strided_slice %dot_general3A_5 {offsets = [0, 1152], sizes = [2048, 128], strides = [1, 1]} : vector<2048x8192xf32> to vector<2048x128xf32>
    %sub3A_102 = vector.broadcast %get3A_8 : vector<2048x1xf32> to vector<2048x128xf32>
    %sub3A_103 = arith.subf %sub3A_102, %slice3A_101 : vector<2048x128xf32>
    %slice3A_104 = vector.extract_strided_slice %get3A_11 {offsets = [0, 1152], sizes = [1, 128], strides = [1, 1]} : vector<1x8192xf32> to vector<1x128xf32>
    %add3A_105 = vector.broadcast %slice3A_104 : vector<1x128xf32> to vector<2048x128xf32>
    %add3A_106 = arith.addf %sub3A_103, %add3A_105 : vector<2048x128xf32>
    %lt3A_107 = arith.cmpf olt, %add3A_106, %select_n3A_97 : vector<2048x128xf32>
    %select_n3A_108 = arith.select %lt3A_107, %add3A_106, %select_n3A_97 : vector<2048x128xi1>, vector<2048x128xf32>
    %jit3A_109 = arith.constant 9 : i32
    %broadcast_in_dim3A_110 = vector.broadcast %jit3A_109 : i32 to vector<2048x128xi32>
    %select_n3A_111 = arith.select %lt3A_107, %broadcast_in_dim3A_110, %select_n3A_100 : vector<2048x128xi1>, vector<2048x128xi32>
    %slice3A_112 = vector.extract_strided_slice %dot_general3A_5 {offsets = [0, 1280], sizes = [2048, 128], strides = [1, 1]} : vector<2048x8192xf32> to vector<2048x128xf32>
    %sub3A_113 = vector.broadcast %get3A_8 : vector<2048x1xf32> to vector<2048x128xf32>
    %sub3A_114 = arith.subf %sub3A_113, %slice3A_112 : vector<2048x128xf32>
    %slice3A_115 = vector.extract_strided_slice %get3A_11 {offsets = [0, 1280], sizes = [1, 128], strides = [1, 1]} : vector<1x8192xf32> to vector<1x128xf32>
    %add3A_116 = vector.broadcast %slice3A_115 : vector<1x128xf32> to vector<2048x128xf32>
    %add3A_117 = arith.addf %sub3A_114, %add3A_116 : vector<2048x128xf32>
    %lt3A_118 = arith.cmpf olt, %add3A_117, %select_n3A_108 : vector<2048x128xf32>
    %select_n3A_119 = arith.select %lt3A_118, %add3A_117, %select_n3A_108 : vector<2048x128xi1>, vector<2048x128xf32>
    %jit3A_120 = arith.constant 10 : i32
    %broadcast_in_dim3A_121 = vector.broadcast %jit3A_120 : i32 to vector<2048x128xi32>
    %select_n3A_122 = arith.select %lt3A_118, %broadcast_in_dim3A_121, %select_n3A_111 : vector<2048x128xi1>, vector<2048x128xi32>
    %slice3A_123 = vector.extract_strided_slice %dot_general3A_5 {offsets = [0, 1408], sizes = [2048, 128], strides = [1, 1]} : vector<2048x8192xf32> to vector<2048x128xf32>
    %sub3A_124 = vector.broadcast %get3A_8 : vector<2048x1xf32> to vector<2048x128xf32>
    %sub3A_125 = arith.subf %sub3A_124, %slice3A_123 : vector<2048x128xf32>
    %slice3A_126 = vector.extract_strided_slice %get3A_11 {offsets = [0, 1408], sizes = [1, 128], strides = [1, 1]} : vector<1x8192xf32> to vector<1x128xf32>
    %add3A_127 = vector.broadcast %slice3A_126 : vector<1x128xf32> to vector<2048x128xf32>
    %add3A_128 = arith.addf %sub3A_125, %add3A_127 : vector<2048x128xf32>
    %lt3A_129 = arith.cmpf olt, %add3A_128, %select_n3A_119 : vector<2048x128xf32>
    %select_n3A_130 = arith.select %lt3A_129, %add3A_128, %select_n3A_119 : vector<2048x128xi1>, vector<2048x128xf32>
    %jit3A_131 = arith.constant 11 : i32
    %broadcast_in_dim3A_132 = vector.broadcast %jit3A_131 : i32 to vector<2048x128xi32>
    %select_n3A_133 = arith.select %lt3A_129, %broadcast_in_dim3A_132, %select_n3A_122 : vector<2048x128xi1>, vector<2048x128xi32>
    %slice3A_134 = vector.extract_strided_slice %dot_general3A_5 {offsets = [0, 1536], sizes = [2048, 128], strides = [1, 1]} : vector<2048x8192xf32> to vector<2048x128xf32>
    %sub3A_135 = vector.broadcast %get3A_8 : vector<2048x1xf32> to vector<2048x128xf32>
    %sub3A_136 = arith.subf %sub3A_135, %slice3A_134 : vector<2048x128xf32>
    %slice3A_137 = vector.extract_strided_slice %get3A_11 {offsets = [0, 1536], sizes = [1, 128], strides = [1, 1]} : vector<1x8192xf32> to vector<1x128xf32>
    %add3A_138 = vector.broadcast %slice3A_137 : vector<1x128xf32> to vector<2048x128xf32>
    %add3A_139 = arith.addf %sub3A_136, %add3A_138 : vector<2048x128xf32>
    %lt3A_140 = arith.cmpf olt, %add3A_139, %select_n3A_130 : vector<2048x128xf32>
    %select_n3A_141 = arith.select %lt3A_140, %add3A_139, %select_n3A_130 : vector<2048x128xi1>, vector<2048x128xf32>
    %jit3A_142 = arith.constant 12 : i32
    %broadcast_in_dim3A_143 = vector.broadcast %jit3A_142 : i32 to vector<2048x128xi32>
    %select_n3A_144 = arith.select %lt3A_140, %broadcast_in_dim3A_143, %select_n3A_133 : vector<2048x128xi1>, vector<2048x128xi32>
    %slice3A_145 = vector.extract_strided_slice %dot_general3A_5 {offsets = [0, 1664], sizes = [2048, 128], strides = [1, 1]} : vector<2048x8192xf32> to vector<2048x128xf32>
    %sub3A_146 = vector.broadcast %get3A_8 : vector<2048x1xf32> to vector<2048x128xf32>
    %sub3A_147 = arith.subf %sub3A_146, %slice3A_145 : vector<2048x128xf32>
    %slice3A_148 = vector.extract_strided_slice %get3A_11 {offsets = [0, 1664], sizes = [1, 128], strides = [1, 1]} : vector<1x8192xf32> to vector<1x128xf32>
    %add3A_149 = vector.broadcast %slice3A_148 : vector<1x128xf32> to vector<2048x128xf32>
    %add3A_150 = arith.addf %sub3A_147, %add3A_149 : vector<2048x128xf32>
    %lt3A_151 = arith.cmpf olt, %add3A_150, %select_n3A_141 : vector<2048x128xf32>
    %select_n3A_152 = arith.select %lt3A_151, %add3A_150, %select_n3A_141 : vector<2048x128xi1>, vector<2048x128xf32>
    %jit3A_153 = arith.constant 13 : i32
    %broadcast_in_dim3A_154 = vector.broadcast %jit3A_153 : i32 to vector<2048x128xi32>
    %select_n3A_155 = arith.select %lt3A_151, %broadcast_in_dim3A_154, %select_n3A_144 : vector<2048x128xi1>, vector<2048x128xi32>
    %slice3A_156 = vector.extract_strided_slice %dot_general3A_5 {offsets = [0, 1792], sizes = [2048, 128], strides = [1, 1]} : vector<2048x8192xf32> to vector<2048x128xf32>
    %sub3A_157 = vector.broadcast %get3A_8 : vector<2048x1xf32> to vector<2048x128xf32>
    %sub3A_158 = arith.subf %sub3A_157, %slice3A_156 : vector<2048x128xf32>
    %slice3A_159 = vector.extract_strided_slice %get3A_11 {offsets = [0, 1792], sizes = [1, 128], strides = [1, 1]} : vector<1x8192xf32> to vector<1x128xf32>
    %add3A_160 = vector.broadcast %slice3A_159 : vector<1x128xf32> to vector<2048x128xf32>
    %add3A_161 = arith.addf %sub3A_158, %add3A_160 : vector<2048x128xf32>
    %lt3A_162 = arith.cmpf olt, %add3A_161, %select_n3A_152 : vector<2048x128xf32>
    %select_n3A_163 = arith.select %lt3A_162, %add3A_161, %select_n3A_152 : vector<2048x128xi1>, vector<2048x128xf32>
    %jit3A_164 = arith.constant 14 : i32
    %broadcast_in_dim3A_165 = vector.broadcast %jit3A_164 : i32 to vector<2048x128xi32>
    %select_n3A_166 = arith.select %lt3A_162, %broadcast_in_dim3A_165, %select_n3A_155 : vector<2048x128xi1>, vector<2048x128xi32>
    %slice3A_167 = vector.extract_strided_slice %dot_general3A_5 {offsets = [0, 1920], sizes = [2048, 128], strides = [1, 1]} : vector<2048x8192xf32> to vector<2048x128xf32>
    %sub3A_168 = vector.broadcast %get3A_8 : vector<2048x1xf32> to vector<2048x128xf32>
    %sub3A_169 = arith.subf %sub3A_168, %slice3A_167 : vector<2048x128xf32>
    %slice3A_170 = vector.extract_strided_slice %get3A_11 {offsets = [0, 1920], sizes = [1, 128], strides = [1, 1]} : vector<1x8192xf32> to vector<1x128xf32>
    %add3A_171 = vector.broadcast %slice3A_170 : vector<1x128xf32> to vector<2048x128xf32>
    %add3A_172 = arith.addf %sub3A_169, %add3A_171 : vector<2048x128xf32>
    %lt3A_173 = arith.cmpf olt, %add3A_172, %select_n3A_163 : vector<2048x128xf32>
    %select_n3A_174 = arith.select %lt3A_173, %add3A_172, %select_n3A_163 : vector<2048x128xi1>, vector<2048x128xf32>
    %jit3A_175 = arith.constant 15 : i32
    %broadcast_in_dim3A_176 = vector.broadcast %jit3A_175 : i32 to vector<2048x128xi32>
    %select_n3A_177 = arith.select %lt3A_173, %broadcast_in_dim3A_176, %select_n3A_166 : vector<2048x128xi1>, vector<2048x128xi32>
    %reduce_min3A = arith.constant dense<0x7F800000> : vector<2048xf32>
    %reduce_min3A_178 = vector.multi_reduction <minimumf>, %select_n3A_174, %reduce_min3A [1] : vector<2048x128xf32> to vector<2048xf32>
    %broadcast_in_dim3A_179 = vector.shape_cast %reduce_min3A_178 : vector<2048xf32> to vector<2048x1xf32>
    %mul3A = arith.constant 128 : i32
    %mul3A_180 = vector.broadcast %mul3A : i32 to vector<2048x128xi32>
    %mul3A_181 = arith.muli %select_n3A_177, %mul3A_180 : vector<2048x128xi32>
    %add3A_182 = arith.addi %mul3A_181, %iota3A : vector<2048x128xi32>
    %add3A_183 = arith.constant 0 : i32
    %add3A_184 = vector.broadcast %add3A_183 : i32 to vector<2048x128xi32>
    %add3A_185 = arith.addi %add3A_182, %add3A_184 : vector<2048x128xi32>
    %eq3A = vector.broadcast %broadcast_in_dim3A_179 : vector<2048x1xf32> to vector<2048x128xf32>
    %eq3A_186 = arith.cmpf oeq, %select_n3A_174, %eq3A : vector<2048x128xf32>
    %jit3A_187 = arith.constant 8192 : i32
    %broadcast_in_dim3A_188 = vector.broadcast %jit3A_187 : i32 to vector<2048x128xi32>
    %select_n3A_189 = arith.select %eq3A_186, %add3A_185, %broadcast_in_dim3A_188 : vector<2048x128xi1>, vector<2048x128xi32>
    %reduce_min3A_190 = arith.constant dense<2147483647> : vector<2048xi32>
    %reduce_min3A_191 = vector.multi_reduction <minsi>, %select_n3A_189, %reduce_min3A_190 [1] : vector<2048x128xi32> to vector<2048xi32>
    %broadcast_in_dim3A_192 = vector.shape_cast %reduce_min3A_191 : vector<2048xi32> to vector<2048x1xi32>
    %convert_element_type3A = arith.truncf %broadcast_in_dim3A_179 : vector<2048x1xf32> to vector<2048x1xbf16>
    %convert_element_type3A_193 = arith.extf %convert_element_type3A : vector<2048x1xbf16> to vector<2048x1xf32>
    %slice3A_194 = vector.extract_strided_slice %dot_general3A_5 {offsets = [0, 2048], sizes = [2048, 128], strides = [1, 1]} : vector<2048x8192xf32> to vector<2048x128xf32>
    %sub3A_195 = vector.broadcast %get3A_8 : vector<2048x1xf32> to vector<2048x128xf32>
    %sub3A_196 = arith.subf %sub3A_195, %slice3A_194 : vector<2048x128xf32>
    %slice3A_197 = vector.extract_strided_slice %get3A_11 {offsets = [0, 2048], sizes = [1, 128], strides = [1, 1]} : vector<1x8192xf32> to vector<1x128xf32>
    %add3A_198 = vector.broadcast %slice3A_197 : vector<1x128xf32> to vector<2048x128xf32>
    %add3A_199 = arith.addf %sub3A_196, %add3A_198 : vector<2048x128xf32>
    %broadcast_in_dim3A_200 = arith.constant 0 : i32
    %broadcast_in_dim3A_201 = vector.broadcast %broadcast_in_dim3A_200 : i32 to vector<2048x128xi32>
    %slice3A_202 = vector.extract_strided_slice %dot_general3A_5 {offsets = [0, 2176], sizes = [2048, 128], strides = [1, 1]} : vector<2048x8192xf32> to vector<2048x128xf32>
    %sub3A_203 = vector.broadcast %get3A_8 : vector<2048x1xf32> to vector<2048x128xf32>
    %sub3A_204 = arith.subf %sub3A_203, %slice3A_202 : vector<2048x128xf32>
    %slice3A_205 = vector.extract_strided_slice %get3A_11 {offsets = [0, 2176], sizes = [1, 128], strides = [1, 1]} : vector<1x8192xf32> to vector<1x128xf32>
    %add3A_206 = vector.broadcast %slice3A_205 : vector<1x128xf32> to vector<2048x128xf32>
    %add3A_207 = arith.addf %sub3A_204, %add3A_206 : vector<2048x128xf32>
    %lt3A_208 = arith.cmpf olt, %add3A_207, %add3A_199 : vector<2048x128xf32>
    %select_n3A_209 = arith.select %lt3A_208, %add3A_207, %add3A_199 : vector<2048x128xi1>, vector<2048x128xf32>
    %jit3A_210 = arith.constant 1 : i32
    %broadcast_in_dim3A_211 = vector.broadcast %jit3A_210 : i32 to vector<2048x128xi32>
    %select_n3A_212 = arith.select %lt3A_208, %broadcast_in_dim3A_211, %broadcast_in_dim3A_201 : vector<2048x128xi1>, vector<2048x128xi32>
    %slice3A_213 = vector.extract_strided_slice %dot_general3A_5 {offsets = [0, 2304], sizes = [2048, 128], strides = [1, 1]} : vector<2048x8192xf32> to vector<2048x128xf32>
    %sub3A_214 = vector.broadcast %get3A_8 : vector<2048x1xf32> to vector<2048x128xf32>
    %sub3A_215 = arith.subf %sub3A_214, %slice3A_213 : vector<2048x128xf32>
    %slice3A_216 = vector.extract_strided_slice %get3A_11 {offsets = [0, 2304], sizes = [1, 128], strides = [1, 1]} : vector<1x8192xf32> to vector<1x128xf32>
    %add3A_217 = vector.broadcast %slice3A_216 : vector<1x128xf32> to vector<2048x128xf32>
    %add3A_218 = arith.addf %sub3A_215, %add3A_217 : vector<2048x128xf32>
    %lt3A_219 = arith.cmpf olt, %add3A_218, %select_n3A_209 : vector<2048x128xf32>
    %select_n3A_220 = arith.select %lt3A_219, %add3A_218, %select_n3A_209 : vector<2048x128xi1>, vector<2048x128xf32>
    %jit3A_221 = arith.constant 2 : i32
    %broadcast_in_dim3A_222 = vector.broadcast %jit3A_221 : i32 to vector<2048x128xi32>
    %select_n3A_223 = arith.select %lt3A_219, %broadcast_in_dim3A_222, %select_n3A_212 : vector<2048x128xi1>, vector<2048x128xi32>
    %slice3A_224 = vector.extract_strided_slice %dot_general3A_5 {offsets = [0, 2432], sizes = [2048, 128], strides = [1, 1]} : vector<2048x8192xf32> to vector<2048x128xf32>
    %sub3A_225 = vector.broadcast %get3A_8 : vector<2048x1xf32> to vector<2048x128xf32>
    %sub3A_226 = arith.subf %sub3A_225, %slice3A_224 : vector<2048x128xf32>
    %slice3A_227 = vector.extract_strided_slice %get3A_11 {offsets = [0, 2432], sizes = [1, 128], strides = [1, 1]} : vector<1x8192xf32> to vector<1x128xf32>
    %add3A_228 = vector.broadcast %slice3A_227 : vector<1x128xf32> to vector<2048x128xf32>
    %add3A_229 = arith.addf %sub3A_226, %add3A_228 : vector<2048x128xf32>
    %lt3A_230 = arith.cmpf olt, %add3A_229, %select_n3A_220 : vector<2048x128xf32>
    %select_n3A_231 = arith.select %lt3A_230, %add3A_229, %select_n3A_220 : vector<2048x128xi1>, vector<2048x128xf32>
    %jit3A_232 = arith.constant 3 : i32
    %broadcast_in_dim3A_233 = vector.broadcast %jit3A_232 : i32 to vector<2048x128xi32>
    %select_n3A_234 = arith.select %lt3A_230, %broadcast_in_dim3A_233, %select_n3A_223 : vector<2048x128xi1>, vector<2048x128xi32>
    %slice3A_235 = vector.extract_strided_slice %dot_general3A_5 {offsets = [0, 2560], sizes = [2048, 128], strides = [1, 1]} : vector<2048x8192xf32> to vector<2048x128xf32>
    %sub3A_236 = vector.broadcast %get3A_8 : vector<2048x1xf32> to vector<2048x128xf32>
    %sub3A_237 = arith.subf %sub3A_236, %slice3A_235 : vector<2048x128xf32>
    %slice3A_238 = vector.extract_strided_slice %get3A_11 {offsets = [0, 2560], sizes = [1, 128], strides = [1, 1]} : vector<1x8192xf32> to vector<1x128xf32>
    %add3A_239 = vector.broadcast %slice3A_238 : vector<1x128xf32> to vector<2048x128xf32>
    %add3A_240 = arith.addf %sub3A_237, %add3A_239 : vector<2048x128xf32>
    %lt3A_241 = arith.cmpf olt, %add3A_240, %select_n3A_231 : vector<2048x128xf32>
    %select_n3A_242 = arith.select %lt3A_241, %add3A_240, %select_n3A_231 : vector<2048x128xi1>, vector<2048x128xf32>
    %jit3A_243 = arith.constant 4 : i32
    %broadcast_in_dim3A_244 = vector.broadcast %jit3A_243 : i32 to vector<2048x128xi32>
    %select_n3A_245 = arith.select %lt3A_241, %broadcast_in_dim3A_244, %select_n3A_234 : vector<2048x128xi1>, vector<2048x128xi32>
    %slice3A_246 = vector.extract_strided_slice %dot_general3A_5 {offsets = [0, 2688], sizes = [2048, 128], strides = [1, 1]} : vector<2048x8192xf32> to vector<2048x128xf32>
    %sub3A_247 = vector.broadcast %get3A_8 : vector<2048x1xf32> to vector<2048x128xf32>
    %sub3A_248 = arith.subf %sub3A_247, %slice3A_246 : vector<2048x128xf32>
    %slice3A_249 = vector.extract_strided_slice %get3A_11 {offsets = [0, 2688], sizes = [1, 128], strides = [1, 1]} : vector<1x8192xf32> to vector<1x128xf32>
    %add3A_250 = vector.broadcast %slice3A_249 : vector<1x128xf32> to vector<2048x128xf32>
    %add3A_251 = arith.addf %sub3A_248, %add3A_250 : vector<2048x128xf32>
    %lt3A_252 = arith.cmpf olt, %add3A_251, %select_n3A_242 : vector<2048x128xf32>
    %select_n3A_253 = arith.select %lt3A_252, %add3A_251, %select_n3A_242 : vector<2048x128xi1>, vector<2048x128xf32>
    %jit3A_254 = arith.constant 5 : i32
    %broadcast_in_dim3A_255 = vector.broadcast %jit3A_254 : i32 to vector<2048x128xi32>
    %select_n3A_256 = arith.select %lt3A_252, %broadcast_in_dim3A_255, %select_n3A_245 : vector<2048x128xi1>, vector<2048x128xi32>
    %slice3A_257 = vector.extract_strided_slice %dot_general3A_5 {offsets = [0, 2816], sizes = [2048, 128], strides = [1, 1]} : vector<2048x8192xf32> to vector<2048x128xf32>
    %sub3A_258 = vector.broadcast %get3A_8 : vector<2048x1xf32> to vector<2048x128xf32>
    %sub3A_259 = arith.subf %sub3A_258, %slice3A_257 : vector<2048x128xf32>
    %slice3A_260 = vector.extract_strided_slice %get3A_11 {offsets = [0, 2816], sizes = [1, 128], strides = [1, 1]} : vector<1x8192xf32> to vector<1x128xf32>
    %add3A_261 = vector.broadcast %slice3A_260 : vector<1x128xf32> to vector<2048x128xf32>
    %add3A_262 = arith.addf %sub3A_259, %add3A_261 : vector<2048x128xf32>
    %lt3A_263 = arith.cmpf olt, %add3A_262, %select_n3A_253 : vector<2048x128xf32>
    %select_n3A_264 = arith.select %lt3A_263, %add3A_262, %select_n3A_253 : vector<2048x128xi1>, vector<2048x128xf32>
    %jit3A_265 = arith.constant 6 : i32
    %broadcast_in_dim3A_266 = vector.broadcast %jit3A_265 : i32 to vector<2048x128xi32>
    %select_n3A_267 = arith.select %lt3A_263, %broadcast_in_dim3A_266, %select_n3A_256 : vector<2048x128xi1>, vector<2048x128xi32>
    %slice3A_268 = vector.extract_strided_slice %dot_general3A_5 {offsets = [0, 2944], sizes = [2048, 128], strides = [1, 1]} : vector<2048x8192xf32> to vector<2048x128xf32>
    %sub3A_269 = vector.broadcast %get3A_8 : vector<2048x1xf32> to vector<2048x128xf32>
    %sub3A_270 = arith.subf %sub3A_269, %slice3A_268 : vector<2048x128xf32>
    %slice3A_271 = vector.extract_strided_slice %get3A_11 {offsets = [0, 2944], sizes = [1, 128], strides = [1, 1]} : vector<1x8192xf32> to vector<1x128xf32>
    %add3A_272 = vector.broadcast %slice3A_271 : vector<1x128xf32> to vector<2048x128xf32>
    %add3A_273 = arith.addf %sub3A_270, %add3A_272 : vector<2048x128xf32>
    %lt3A_274 = arith.cmpf olt, %add3A_273, %select_n3A_264 : vector<2048x128xf32>
    %select_n3A_275 = arith.select %lt3A_274, %add3A_273, %select_n3A_264 : vector<2048x128xi1>, vector<2048x128xf32>
    %jit3A_276 = arith.constant 7 : i32
    %broadcast_in_dim3A_277 = vector.broadcast %jit3A_276 : i32 to vector<2048x128xi32>
    %select_n3A_278 = arith.select %lt3A_274, %broadcast_in_dim3A_277, %select_n3A_267 : vector<2048x128xi1>, vector<2048x128xi32>
    %slice3A_279 = vector.extract_strided_slice %dot_general3A_5 {offsets = [0, 3072], sizes = [2048, 128], strides = [1, 1]} : vector<2048x8192xf32> to vector<2048x128xf32>
    %sub3A_280 = vector.broadcast %get3A_8 : vector<2048x1xf32> to vector<2048x128xf32>
    %sub3A_281 = arith.subf %sub3A_280, %slice3A_279 : vector<2048x128xf32>
    %slice3A_282 = vector.extract_strided_slice %get3A_11 {offsets = [0, 3072], sizes = [1, 128], strides = [1, 1]} : vector<1x8192xf32> to vector<1x128xf32>
    %add3A_283 = vector.broadcast %slice3A_282 : vector<1x128xf32> to vector<2048x128xf32>
    %add3A_284 = arith.addf %sub3A_281, %add3A_283 : vector<2048x128xf32>
    %lt3A_285 = arith.cmpf olt, %add3A_284, %select_n3A_275 : vector<2048x128xf32>
    %select_n3A_286 = arith.select %lt3A_285, %add3A_284, %select_n3A_275 : vector<2048x128xi1>, vector<2048x128xf32>
    %jit3A_287 = arith.constant 8 : i32
    %broadcast_in_dim3A_288 = vector.broadcast %jit3A_287 : i32 to vector<2048x128xi32>
    %select_n3A_289 = arith.select %lt3A_285, %broadcast_in_dim3A_288, %select_n3A_278 : vector<2048x128xi1>, vector<2048x128xi32>
    %slice3A_290 = vector.extract_strided_slice %dot_general3A_5 {offsets = [0, 3200], sizes = [2048, 128], strides = [1, 1]} : vector<2048x8192xf32> to vector<2048x128xf32>
    %sub3A_291 = vector.broadcast %get3A_8 : vector<2048x1xf32> to vector<2048x128xf32>
    %sub3A_292 = arith.subf %sub3A_291, %slice3A_290 : vector<2048x128xf32>
    %slice3A_293 = vector.extract_strided_slice %get3A_11 {offsets = [0, 3200], sizes = [1, 128], strides = [1, 1]} : vector<1x8192xf32> to vector<1x128xf32>
    %add3A_294 = vector.broadcast %slice3A_293 : vector<1x128xf32> to vector<2048x128xf32>
    %add3A_295 = arith.addf %sub3A_292, %add3A_294 : vector<2048x128xf32>
    %lt3A_296 = arith.cmpf olt, %add3A_295, %select_n3A_286 : vector<2048x128xf32>
    %select_n3A_297 = arith.select %lt3A_296, %add3A_295, %select_n3A_286 : vector<2048x128xi1>, vector<2048x128xf32>
    %jit3A_298 = arith.constant 9 : i32
    %broadcast_in_dim3A_299 = vector.broadcast %jit3A_298 : i32 to vector<2048x128xi32>
    %select_n3A_300 = arith.select %lt3A_296, %broadcast_in_dim3A_299, %select_n3A_289 : vector<2048x128xi1>, vector<2048x128xi32>
    %slice3A_301 = vector.extract_strided_slice %dot_general3A_5 {offsets = [0, 3328], sizes = [2048, 128], strides = [1, 1]} : vector<2048x8192xf32> to vector<2048x128xf32>
    %sub3A_302 = vector.broadcast %get3A_8 : vector<2048x1xf32> to vector<2048x128xf32>
    %sub3A_303 = arith.subf %sub3A_302, %slice3A_301 : vector<2048x128xf32>
    %slice3A_304 = vector.extract_strided_slice %get3A_11 {offsets = [0, 3328], sizes = [1, 128], strides = [1, 1]} : vector<1x8192xf32> to vector<1x128xf32>
    %add3A_305 = vector.broadcast %slice3A_304 : vector<1x128xf32> to vector<2048x128xf32>
    %add3A_306 = arith.addf %sub3A_303, %add3A_305 : vector<2048x128xf32>
    %lt3A_307 = arith.cmpf olt, %add3A_306, %select_n3A_297 : vector<2048x128xf32>
    %select_n3A_308 = arith.select %lt3A_307, %add3A_306, %select_n3A_297 : vector<2048x128xi1>, vector<2048x128xf32>
    %jit3A_309 = arith.constant 10 : i32
    %broadcast_in_dim3A_310 = vector.broadcast %jit3A_309 : i32 to vector<2048x128xi32>
    %select_n3A_311 = arith.select %lt3A_307, %broadcast_in_dim3A_310, %select_n3A_300 : vector<2048x128xi1>, vector<2048x128xi32>
    %slice3A_312 = vector.extract_strided_slice %dot_general3A_5 {offsets = [0, 3456], sizes = [2048, 128], strides = [1, 1]} : vector<2048x8192xf32> to vector<2048x128xf32>
    %sub3A_313 = vector.broadcast %get3A_8 : vector<2048x1xf32> to vector<2048x128xf32>
    %sub3A_314 = arith.subf %sub3A_313, %slice3A_312 : vector<2048x128xf32>
    %slice3A_315 = vector.extract_strided_slice %get3A_11 {offsets = [0, 3456], sizes = [1, 128], strides = [1, 1]} : vector<1x8192xf32> to vector<1x128xf32>
    %add3A_316 = vector.broadcast %slice3A_315 : vector<1x128xf32> to vector<2048x128xf32>
    %add3A_317 = arith.addf %sub3A_314, %add3A_316 : vector<2048x128xf32>
    %lt3A_318 = arith.cmpf olt, %add3A_317, %select_n3A_308 : vector<2048x128xf32>
    %select_n3A_319 = arith.select %lt3A_318, %add3A_317, %select_n3A_308 : vector<2048x128xi1>, vector<2048x128xf32>
    %jit3A_320 = arith.constant 11 : i32
    %broadcast_in_dim3A_321 = vector.broadcast %jit3A_320 : i32 to vector<2048x128xi32>
    %select_n3A_322 = arith.select %lt3A_318, %broadcast_in_dim3A_321, %select_n3A_311 : vector<2048x128xi1>, vector<2048x128xi32>
    %slice3A_323 = vector.extract_strided_slice %dot_general3A_5 {offsets = [0, 3584], sizes = [2048, 128], strides = [1, 1]} : vector<2048x8192xf32> to vector<2048x128xf32>
    %sub3A_324 = vector.broadcast %get3A_8 : vector<2048x1xf32> to vector<2048x128xf32>
    %sub3A_325 = arith.subf %sub3A_324, %slice3A_323 : vector<2048x128xf32>
    %slice3A_326 = vector.extract_strided_slice %get3A_11 {offsets = [0, 3584], sizes = [1, 128], strides = [1, 1]} : vector<1x8192xf32> to vector<1x128xf32>
    %add3A_327 = vector.broadcast %slice3A_326 : vector<1x128xf32> to vector<2048x128xf32>
    %add3A_328 = arith.addf %sub3A_325, %add3A_327 : vector<2048x128xf32>
    %lt3A_329 = arith.cmpf olt, %add3A_328, %select_n3A_319 : vector<2048x128xf32>
    %select_n3A_330 = arith.select %lt3A_329, %add3A_328, %select_n3A_319 : vector<2048x128xi1>, vector<2048x128xf32>
    %jit3A_331 = arith.constant 12 : i32
    %broadcast_in_dim3A_332 = vector.broadcast %jit3A_331 : i32 to vector<2048x128xi32>
    %select_n3A_333 = arith.select %lt3A_329, %broadcast_in_dim3A_332, %select_n3A_322 : vector<2048x128xi1>, vector<2048x128xi32>
    %slice3A_334 = vector.extract_strided_slice %dot_general3A_5 {offsets = [0, 3712], sizes = [2048, 128], strides = [1, 1]} : vector<2048x8192xf32> to vector<2048x128xf32>
    %sub3A_335 = vector.broadcast %get3A_8 : vector<2048x1xf32> to vector<2048x128xf32>
    %sub3A_336 = arith.subf %sub3A_335, %slice3A_334 : vector<2048x128xf32>
    %slice3A_337 = vector.extract_strided_slice %get3A_11 {offsets = [0, 3712], sizes = [1, 128], strides = [1, 1]} : vector<1x8192xf32> to vector<1x128xf32>
    %add3A_338 = vector.broadcast %slice3A_337 : vector<1x128xf32> to vector<2048x128xf32>
    %add3A_339 = arith.addf %sub3A_336, %add3A_338 : vector<2048x128xf32>
    %lt3A_340 = arith.cmpf olt, %add3A_339, %select_n3A_330 : vector<2048x128xf32>
    %select_n3A_341 = arith.select %lt3A_340, %add3A_339, %select_n3A_330 : vector<2048x128xi1>, vector<2048x128xf32>
    %jit3A_342 = arith.constant 13 : i32
    %broadcast_in_dim3A_343 = vector.broadcast %jit3A_342 : i32 to vector<2048x128xi32>
    %select_n3A_344 = arith.select %lt3A_340, %broadcast_in_dim3A_343, %select_n3A_333 : vector<2048x128xi1>, vector<2048x128xi32>
    %slice3A_345 = vector.extract_strided_slice %dot_general3A_5 {offsets = [0, 3840], sizes = [2048, 128], strides = [1, 1]} : vector<2048x8192xf32> to vector<2048x128xf32>
    %sub3A_346 = vector.broadcast %get3A_8 : vector<2048x1xf32> to vector<2048x128xf32>
    %sub3A_347 = arith.subf %sub3A_346, %slice3A_345 : vector<2048x128xf32>
    %slice3A_348 = vector.extract_strided_slice %get3A_11 {offsets = [0, 3840], sizes = [1, 128], strides = [1, 1]} : vector<1x8192xf32> to vector<1x128xf32>
    %add3A_349 = vector.broadcast %slice3A_348 : vector<1x128xf32> to vector<2048x128xf32>
    %add3A_350 = arith.addf %sub3A_347, %add3A_349 : vector<2048x128xf32>
    %lt3A_351 = arith.cmpf olt, %add3A_350, %select_n3A_341 : vector<2048x128xf32>
    %select_n3A_352 = arith.select %lt3A_351, %add3A_350, %select_n3A_341 : vector<2048x128xi1>, vector<2048x128xf32>
    %jit3A_353 = arith.constant 14 : i32
    %broadcast_in_dim3A_354 = vector.broadcast %jit3A_353 : i32 to vector<2048x128xi32>
    %select_n3A_355 = arith.select %lt3A_351, %broadcast_in_dim3A_354, %select_n3A_344 : vector<2048x128xi1>, vector<2048x128xi32>
    %slice3A_356 = vector.extract_strided_slice %dot_general3A_5 {offsets = [0, 3968], sizes = [2048, 128], strides = [1, 1]} : vector<2048x8192xf32> to vector<2048x128xf32>
    %sub3A_357 = vector.broadcast %get3A_8 : vector<2048x1xf32> to vector<2048x128xf32>
    %sub3A_358 = arith.subf %sub3A_357, %slice3A_356 : vector<2048x128xf32>
    %slice3A_359 = vector.extract_strided_slice %get3A_11 {offsets = [0, 3968], sizes = [1, 128], strides = [1, 1]} : vector<1x8192xf32> to vector<1x128xf32>
    %add3A_360 = vector.broadcast %slice3A_359 : vector<1x128xf32> to vector<2048x128xf32>
    %add3A_361 = arith.addf %sub3A_358, %add3A_360 : vector<2048x128xf32>
    %lt3A_362 = arith.cmpf olt, %add3A_361, %select_n3A_352 : vector<2048x128xf32>
    %select_n3A_363 = arith.select %lt3A_362, %add3A_361, %select_n3A_352 : vector<2048x128xi1>, vector<2048x128xf32>
    %jit3A_364 = arith.constant 15 : i32
    %broadcast_in_dim3A_365 = vector.broadcast %jit3A_364 : i32 to vector<2048x128xi32>
    %select_n3A_366 = arith.select %lt3A_362, %broadcast_in_dim3A_365, %select_n3A_355 : vector<2048x128xi1>, vector<2048x128xi32>
    %reduce_min3A_367 = arith.constant dense<0x7F800000> : vector<2048xf32>
    %reduce_min3A_368 = vector.multi_reduction <minimumf>, %select_n3A_363, %reduce_min3A_367 [1] : vector<2048x128xf32> to vector<2048xf32>
    %broadcast_in_dim3A_369 = vector.shape_cast %reduce_min3A_368 : vector<2048xf32> to vector<2048x1xf32>
    %mul3A_370 = arith.constant 128 : i32
    %mul3A_371 = vector.broadcast %mul3A_370 : i32 to vector<2048x128xi32>
    %mul3A_372 = arith.muli %select_n3A_366, %mul3A_371 : vector<2048x128xi32>
    %add3A_373 = arith.addi %mul3A_372, %iota3A : vector<2048x128xi32>
    %add3A_374 = arith.constant 2048 : i32
    %add3A_375 = vector.broadcast %add3A_374 : i32 to vector<2048x128xi32>
    %add3A_376 = arith.addi %add3A_373, %add3A_375 : vector<2048x128xi32>
    %eq3A_377 = vector.broadcast %broadcast_in_dim3A_369 : vector<2048x1xf32> to vector<2048x128xf32>
    %eq3A_378 = arith.cmpf oeq, %select_n3A_363, %eq3A_377 : vector<2048x128xf32>
    %jit3A_379 = arith.constant 8192 : i32
    %broadcast_in_dim3A_380 = vector.broadcast %jit3A_379 : i32 to vector<2048x128xi32>
    %select_n3A_381 = arith.select %eq3A_378, %add3A_376, %broadcast_in_dim3A_380 : vector<2048x128xi1>, vector<2048x128xi32>
    %reduce_min3A_382 = arith.constant dense<2147483647> : vector<2048xi32>
    %reduce_min3A_383 = vector.multi_reduction <minsi>, %select_n3A_381, %reduce_min3A_382 [1] : vector<2048x128xi32> to vector<2048xi32>
    %broadcast_in_dim3A_384 = vector.shape_cast %reduce_min3A_383 : vector<2048xi32> to vector<2048x1xi32>
    %lt3A_385 = arith.cmpf olt, %broadcast_in_dim3A_369, %convert_element_type3A_193 : vector<2048x1xf32>
    %select_n3A_386 = arith.select %lt3A_385, %broadcast_in_dim3A_369, %convert_element_type3A_193 : vector<2048x1xi1>, vector<2048x1xf32>
    %convert_element_type3A_387 = arith.truncf %select_n3A_386 : vector<2048x1xf32> to vector<2048x1xbf16>
    %convert_element_type3A_388 = arith.extf %convert_element_type3A_387 : vector<2048x1xbf16> to vector<2048x1xf32>
    %select_n3A_389 = arith.select %lt3A_385, %broadcast_in_dim3A_384, %broadcast_in_dim3A_192 : vector<2048x1xi1>, vector<2048x1xi32>
    %slice3A_390 = vector.extract_strided_slice %dot_general3A_5 {offsets = [0, 4096], sizes = [2048, 128], strides = [1, 1]} : vector<2048x8192xf32> to vector<2048x128xf32>
    %sub3A_391 = vector.broadcast %get3A_8 : vector<2048x1xf32> to vector<2048x128xf32>
    %sub3A_392 = arith.subf %sub3A_391, %slice3A_390 : vector<2048x128xf32>
    %slice3A_393 = vector.extract_strided_slice %get3A_11 {offsets = [0, 4096], sizes = [1, 128], strides = [1, 1]} : vector<1x8192xf32> to vector<1x128xf32>
    %add3A_394 = vector.broadcast %slice3A_393 : vector<1x128xf32> to vector<2048x128xf32>
    %add3A_395 = arith.addf %sub3A_392, %add3A_394 : vector<2048x128xf32>
    %broadcast_in_dim3A_396 = arith.constant 0 : i32
    %broadcast_in_dim3A_397 = vector.broadcast %broadcast_in_dim3A_396 : i32 to vector<2048x128xi32>
    %slice3A_398 = vector.extract_strided_slice %dot_general3A_5 {offsets = [0, 4224], sizes = [2048, 128], strides = [1, 1]} : vector<2048x8192xf32> to vector<2048x128xf32>
    %sub3A_399 = vector.broadcast %get3A_8 : vector<2048x1xf32> to vector<2048x128xf32>
    %sub3A_400 = arith.subf %sub3A_399, %slice3A_398 : vector<2048x128xf32>
    %slice3A_401 = vector.extract_strided_slice %get3A_11 {offsets = [0, 4224], sizes = [1, 128], strides = [1, 1]} : vector<1x8192xf32> to vector<1x128xf32>
    %add3A_402 = vector.broadcast %slice3A_401 : vector<1x128xf32> to vector<2048x128xf32>
    %add3A_403 = arith.addf %sub3A_400, %add3A_402 : vector<2048x128xf32>
    %lt3A_404 = arith.cmpf olt, %add3A_403, %add3A_395 : vector<2048x128xf32>
    %select_n3A_405 = arith.select %lt3A_404, %add3A_403, %add3A_395 : vector<2048x128xi1>, vector<2048x128xf32>
    %jit3A_406 = arith.constant 1 : i32
    %broadcast_in_dim3A_407 = vector.broadcast %jit3A_406 : i32 to vector<2048x128xi32>
    %select_n3A_408 = arith.select %lt3A_404, %broadcast_in_dim3A_407, %broadcast_in_dim3A_397 : vector<2048x128xi1>, vector<2048x128xi32>
    %slice3A_409 = vector.extract_strided_slice %dot_general3A_5 {offsets = [0, 4352], sizes = [2048, 128], strides = [1, 1]} : vector<2048x8192xf32> to vector<2048x128xf32>
    %sub3A_410 = vector.broadcast %get3A_8 : vector<2048x1xf32> to vector<2048x128xf32>
    %sub3A_411 = arith.subf %sub3A_410, %slice3A_409 : vector<2048x128xf32>
    %slice3A_412 = vector.extract_strided_slice %get3A_11 {offsets = [0, 4352], sizes = [1, 128], strides = [1, 1]} : vector<1x8192xf32> to vector<1x128xf32>
    %add3A_413 = vector.broadcast %slice3A_412 : vector<1x128xf32> to vector<2048x128xf32>
    %add3A_414 = arith.addf %sub3A_411, %add3A_413 : vector<2048x128xf32>
    %lt3A_415 = arith.cmpf olt, %add3A_414, %select_n3A_405 : vector<2048x128xf32>
    %select_n3A_416 = arith.select %lt3A_415, %add3A_414, %select_n3A_405 : vector<2048x128xi1>, vector<2048x128xf32>
    %jit3A_417 = arith.constant 2 : i32
    %broadcast_in_dim3A_418 = vector.broadcast %jit3A_417 : i32 to vector<2048x128xi32>
    %select_n3A_419 = arith.select %lt3A_415, %broadcast_in_dim3A_418, %select_n3A_408 : vector<2048x128xi1>, vector<2048x128xi32>
    %slice3A_420 = vector.extract_strided_slice %dot_general3A_5 {offsets = [0, 4480], sizes = [2048, 128], strides = [1, 1]} : vector<2048x8192xf32> to vector<2048x128xf32>
    %sub3A_421 = vector.broadcast %get3A_8 : vector<2048x1xf32> to vector<2048x128xf32>
    %sub3A_422 = arith.subf %sub3A_421, %slice3A_420 : vector<2048x128xf32>
    %slice3A_423 = vector.extract_strided_slice %get3A_11 {offsets = [0, 4480], sizes = [1, 128], strides = [1, 1]} : vector<1x8192xf32> to vector<1x128xf32>
    %add3A_424 = vector.broadcast %slice3A_423 : vector<1x128xf32> to vector<2048x128xf32>
    %add3A_425 = arith.addf %sub3A_422, %add3A_424 : vector<2048x128xf32>
    %lt3A_426 = arith.cmpf olt, %add3A_425, %select_n3A_416 : vector<2048x128xf32>
    %select_n3A_427 = arith.select %lt3A_426, %add3A_425, %select_n3A_416 : vector<2048x128xi1>, vector<2048x128xf32>
    %jit3A_428 = arith.constant 3 : i32
    %broadcast_in_dim3A_429 = vector.broadcast %jit3A_428 : i32 to vector<2048x128xi32>
    %select_n3A_430 = arith.select %lt3A_426, %broadcast_in_dim3A_429, %select_n3A_419 : vector<2048x128xi1>, vector<2048x128xi32>
    %slice3A_431 = vector.extract_strided_slice %dot_general3A_5 {offsets = [0, 4608], sizes = [2048, 128], strides = [1, 1]} : vector<2048x8192xf32> to vector<2048x128xf32>
    %sub3A_432 = vector.broadcast %get3A_8 : vector<2048x1xf32> to vector<2048x128xf32>
    %sub3A_433 = arith.subf %sub3A_432, %slice3A_431 : vector<2048x128xf32>
    %slice3A_434 = vector.extract_strided_slice %get3A_11 {offsets = [0, 4608], sizes = [1, 128], strides = [1, 1]} : vector<1x8192xf32> to vector<1x128xf32>
    %add3A_435 = vector.broadcast %slice3A_434 : vector<1x128xf32> to vector<2048x128xf32>
    %add3A_436 = arith.addf %sub3A_433, %add3A_435 : vector<2048x128xf32>
    %lt3A_437 = arith.cmpf olt, %add3A_436, %select_n3A_427 : vector<2048x128xf32>
    %select_n3A_438 = arith.select %lt3A_437, %add3A_436, %select_n3A_427 : vector<2048x128xi1>, vector<2048x128xf32>
    %jit3A_439 = arith.constant 4 : i32
    %broadcast_in_dim3A_440 = vector.broadcast %jit3A_439 : i32 to vector<2048x128xi32>
    %select_n3A_441 = arith.select %lt3A_437, %broadcast_in_dim3A_440, %select_n3A_430 : vector<2048x128xi1>, vector<2048x128xi32>
    %slice3A_442 = vector.extract_strided_slice %dot_general3A_5 {offsets = [0, 4736], sizes = [2048, 128], strides = [1, 1]} : vector<2048x8192xf32> to vector<2048x128xf32>
    %sub3A_443 = vector.broadcast %get3A_8 : vector<2048x1xf32> to vector<2048x128xf32>
    %sub3A_444 = arith.subf %sub3A_443, %slice3A_442 : vector<2048x128xf32>
    %slice3A_445 = vector.extract_strided_slice %get3A_11 {offsets = [0, 4736], sizes = [1, 128], strides = [1, 1]} : vector<1x8192xf32> to vector<1x128xf32>
    %add3A_446 = vector.broadcast %slice3A_445 : vector<1x128xf32> to vector<2048x128xf32>
    %add3A_447 = arith.addf %sub3A_444, %add3A_446 : vector<2048x128xf32>
    %lt3A_448 = arith.cmpf olt, %add3A_447, %select_n3A_438 : vector<2048x128xf32>
    %select_n3A_449 = arith.select %lt3A_448, %add3A_447, %select_n3A_438 : vector<2048x128xi1>, vector<2048x128xf32>
    %jit3A_450 = arith.constant 5 : i32
    %broadcast_in_dim3A_451 = vector.broadcast %jit3A_450 : i32 to vector<2048x128xi32>
    %select_n3A_452 = arith.select %lt3A_448, %broadcast_in_dim3A_451, %select_n3A_441 : vector<2048x128xi1>, vector<2048x128xi32>
    %slice3A_453 = vector.extract_strided_slice %dot_general3A_5 {offsets = [0, 4864], sizes = [2048, 128], strides = [1, 1]} : vector<2048x8192xf32> to vector<2048x128xf32>
    %sub3A_454 = vector.broadcast %get3A_8 : vector<2048x1xf32> to vector<2048x128xf32>
    %sub3A_455 = arith.subf %sub3A_454, %slice3A_453 : vector<2048x128xf32>
    %slice3A_456 = vector.extract_strided_slice %get3A_11 {offsets = [0, 4864], sizes = [1, 128], strides = [1, 1]} : vector<1x8192xf32> to vector<1x128xf32>
    %add3A_457 = vector.broadcast %slice3A_456 : vector<1x128xf32> to vector<2048x128xf32>
    %add3A_458 = arith.addf %sub3A_455, %add3A_457 : vector<2048x128xf32>
    %lt3A_459 = arith.cmpf olt, %add3A_458, %select_n3A_449 : vector<2048x128xf32>
    %select_n3A_460 = arith.select %lt3A_459, %add3A_458, %select_n3A_449 : vector<2048x128xi1>, vector<2048x128xf32>
    %jit3A_461 = arith.constant 6 : i32
    %broadcast_in_dim3A_462 = vector.broadcast %jit3A_461 : i32 to vector<2048x128xi32>
    %select_n3A_463 = arith.select %lt3A_459, %broadcast_in_dim3A_462, %select_n3A_452 : vector<2048x128xi1>, vector<2048x128xi32>
    %slice3A_464 = vector.extract_strided_slice %dot_general3A_5 {offsets = [0, 4992], sizes = [2048, 128], strides = [1, 1]} : vector<2048x8192xf32> to vector<2048x128xf32>
    %sub3A_465 = vector.broadcast %get3A_8 : vector<2048x1xf32> to vector<2048x128xf32>
    %sub3A_466 = arith.subf %sub3A_465, %slice3A_464 : vector<2048x128xf32>
    %slice3A_467 = vector.extract_strided_slice %get3A_11 {offsets = [0, 4992], sizes = [1, 128], strides = [1, 1]} : vector<1x8192xf32> to vector<1x128xf32>
    %add3A_468 = vector.broadcast %slice3A_467 : vector<1x128xf32> to vector<2048x128xf32>
    %add3A_469 = arith.addf %sub3A_466, %add3A_468 : vector<2048x128xf32>
    %lt3A_470 = arith.cmpf olt, %add3A_469, %select_n3A_460 : vector<2048x128xf32>
    %select_n3A_471 = arith.select %lt3A_470, %add3A_469, %select_n3A_460 : vector<2048x128xi1>, vector<2048x128xf32>
    %jit3A_472 = arith.constant 7 : i32
    %broadcast_in_dim3A_473 = vector.broadcast %jit3A_472 : i32 to vector<2048x128xi32>
    %select_n3A_474 = arith.select %lt3A_470, %broadcast_in_dim3A_473, %select_n3A_463 : vector<2048x128xi1>, vector<2048x128xi32>
    %slice3A_475 = vector.extract_strided_slice %dot_general3A_5 {offsets = [0, 5120], sizes = [2048, 128], strides = [1, 1]} : vector<2048x8192xf32> to vector<2048x128xf32>
    %sub3A_476 = vector.broadcast %get3A_8 : vector<2048x1xf32> to vector<2048x128xf32>
    %sub3A_477 = arith.subf %sub3A_476, %slice3A_475 : vector<2048x128xf32>
    %slice3A_478 = vector.extract_strided_slice %get3A_11 {offsets = [0, 5120], sizes = [1, 128], strides = [1, 1]} : vector<1x8192xf32> to vector<1x128xf32>
    %add3A_479 = vector.broadcast %slice3A_478 : vector<1x128xf32> to vector<2048x128xf32>
    %add3A_480 = arith.addf %sub3A_477, %add3A_479 : vector<2048x128xf32>
    %lt3A_481 = arith.cmpf olt, %add3A_480, %select_n3A_471 : vector<2048x128xf32>
    %select_n3A_482 = arith.select %lt3A_481, %add3A_480, %select_n3A_471 : vector<2048x128xi1>, vector<2048x128xf32>
    %jit3A_483 = arith.constant 8 : i32
    %broadcast_in_dim3A_484 = vector.broadcast %jit3A_483 : i32 to vector<2048x128xi32>
    %select_n3A_485 = arith.select %lt3A_481, %broadcast_in_dim3A_484, %select_n3A_474 : vector<2048x128xi1>, vector<2048x128xi32>
    %slice3A_486 = vector.extract_strided_slice %dot_general3A_5 {offsets = [0, 5248], sizes = [2048, 128], strides = [1, 1]} : vector<2048x8192xf32> to vector<2048x128xf32>
    %sub3A_487 = vector.broadcast %get3A_8 : vector<2048x1xf32> to vector<2048x128xf32>
    %sub3A_488 = arith.subf %sub3A_487, %slice3A_486 : vector<2048x128xf32>
    %slice3A_489 = vector.extract_strided_slice %get3A_11 {offsets = [0, 5248], sizes = [1, 128], strides = [1, 1]} : vector<1x8192xf32> to vector<1x128xf32>
    %add3A_490 = vector.broadcast %slice3A_489 : vector<1x128xf32> to vector<2048x128xf32>
    %add3A_491 = arith.addf %sub3A_488, %add3A_490 : vector<2048x128xf32>
    %lt3A_492 = arith.cmpf olt, %add3A_491, %select_n3A_482 : vector<2048x128xf32>
    %select_n3A_493 = arith.select %lt3A_492, %add3A_491, %select_n3A_482 : vector<2048x128xi1>, vector<2048x128xf32>
    %jit3A_494 = arith.constant 9 : i32
    %broadcast_in_dim3A_495 = vector.broadcast %jit3A_494 : i32 to vector<2048x128xi32>
    %select_n3A_496 = arith.select %lt3A_492, %broadcast_in_dim3A_495, %select_n3A_485 : vector<2048x128xi1>, vector<2048x128xi32>
    %slice3A_497 = vector.extract_strided_slice %dot_general3A_5 {offsets = [0, 5376], sizes = [2048, 128], strides = [1, 1]} : vector<2048x8192xf32> to vector<2048x128xf32>
    %sub3A_498 = vector.broadcast %get3A_8 : vector<2048x1xf32> to vector<2048x128xf32>
    %sub3A_499 = arith.subf %sub3A_498, %slice3A_497 : vector<2048x128xf32>
    %slice3A_500 = vector.extract_strided_slice %get3A_11 {offsets = [0, 5376], sizes = [1, 128], strides = [1, 1]} : vector<1x8192xf32> to vector<1x128xf32>
    %add3A_501 = vector.broadcast %slice3A_500 : vector<1x128xf32> to vector<2048x128xf32>
    %add3A_502 = arith.addf %sub3A_499, %add3A_501 : vector<2048x128xf32>
    %lt3A_503 = arith.cmpf olt, %add3A_502, %select_n3A_493 : vector<2048x128xf32>
    %select_n3A_504 = arith.select %lt3A_503, %add3A_502, %select_n3A_493 : vector<2048x128xi1>, vector<2048x128xf32>
    %jit3A_505 = arith.constant 10 : i32
    %broadcast_in_dim3A_506 = vector.broadcast %jit3A_505 : i32 to vector<2048x128xi32>
    %select_n3A_507 = arith.select %lt3A_503, %broadcast_in_dim3A_506, %select_n3A_496 : vector<2048x128xi1>, vector<2048x128xi32>
    %slice3A_508 = vector.extract_strided_slice %dot_general3A_5 {offsets = [0, 5504], sizes = [2048, 128], strides = [1, 1]} : vector<2048x8192xf32> to vector<2048x128xf32>
    %sub3A_509 = vector.broadcast %get3A_8 : vector<2048x1xf32> to vector<2048x128xf32>
    %sub3A_510 = arith.subf %sub3A_509, %slice3A_508 : vector<2048x128xf32>
    %slice3A_511 = vector.extract_strided_slice %get3A_11 {offsets = [0, 5504], sizes = [1, 128], strides = [1, 1]} : vector<1x8192xf32> to vector<1x128xf32>
    %add3A_512 = vector.broadcast %slice3A_511 : vector<1x128xf32> to vector<2048x128xf32>
    %add3A_513 = arith.addf %sub3A_510, %add3A_512 : vector<2048x128xf32>
    %lt3A_514 = arith.cmpf olt, %add3A_513, %select_n3A_504 : vector<2048x128xf32>
    %select_n3A_515 = arith.select %lt3A_514, %add3A_513, %select_n3A_504 : vector<2048x128xi1>, vector<2048x128xf32>
    %jit3A_516 = arith.constant 11 : i32
    %broadcast_in_dim3A_517 = vector.broadcast %jit3A_516 : i32 to vector<2048x128xi32>
    %select_n3A_518 = arith.select %lt3A_514, %broadcast_in_dim3A_517, %select_n3A_507 : vector<2048x128xi1>, vector<2048x128xi32>
    %slice3A_519 = vector.extract_strided_slice %dot_general3A_5 {offsets = [0, 5632], sizes = [2048, 128], strides = [1, 1]} : vector<2048x8192xf32> to vector<2048x128xf32>
    %sub3A_520 = vector.broadcast %get3A_8 : vector<2048x1xf32> to vector<2048x128xf32>
    %sub3A_521 = arith.subf %sub3A_520, %slice3A_519 : vector<2048x128xf32>
    %slice3A_522 = vector.extract_strided_slice %get3A_11 {offsets = [0, 5632], sizes = [1, 128], strides = [1, 1]} : vector<1x8192xf32> to vector<1x128xf32>
    %add3A_523 = vector.broadcast %slice3A_522 : vector<1x128xf32> to vector<2048x128xf32>
    %add3A_524 = arith.addf %sub3A_521, %add3A_523 : vector<2048x128xf32>
    %lt3A_525 = arith.cmpf olt, %add3A_524, %select_n3A_515 : vector<2048x128xf32>
    %select_n3A_526 = arith.select %lt3A_525, %add3A_524, %select_n3A_515 : vector<2048x128xi1>, vector<2048x128xf32>
    %jit3A_527 = arith.constant 12 : i32
    %broadcast_in_dim3A_528 = vector.broadcast %jit3A_527 : i32 to vector<2048x128xi32>
    %select_n3A_529 = arith.select %lt3A_525, %broadcast_in_dim3A_528, %select_n3A_518 : vector<2048x128xi1>, vector<2048x128xi32>
    %slice3A_530 = vector.extract_strided_slice %dot_general3A_5 {offsets = [0, 5760], sizes = [2048, 128], strides = [1, 1]} : vector<2048x8192xf32> to vector<2048x128xf32>
    %sub3A_531 = vector.broadcast %get3A_8 : vector<2048x1xf32> to vector<2048x128xf32>
    %sub3A_532 = arith.subf %sub3A_531, %slice3A_530 : vector<2048x128xf32>
    %slice3A_533 = vector.extract_strided_slice %get3A_11 {offsets = [0, 5760], sizes = [1, 128], strides = [1, 1]} : vector<1x8192xf32> to vector<1x128xf32>
    %add3A_534 = vector.broadcast %slice3A_533 : vector<1x128xf32> to vector<2048x128xf32>
    %add3A_535 = arith.addf %sub3A_532, %add3A_534 : vector<2048x128xf32>
    %lt3A_536 = arith.cmpf olt, %add3A_535, %select_n3A_526 : vector<2048x128xf32>
    %select_n3A_537 = arith.select %lt3A_536, %add3A_535, %select_n3A_526 : vector<2048x128xi1>, vector<2048x128xf32>
    %jit3A_538 = arith.constant 13 : i32
    %broadcast_in_dim3A_539 = vector.broadcast %jit3A_538 : i32 to vector<2048x128xi32>
    %select_n3A_540 = arith.select %lt3A_536, %broadcast_in_dim3A_539, %select_n3A_529 : vector<2048x128xi1>, vector<2048x128xi32>
    %slice3A_541 = vector.extract_strided_slice %dot_general3A_5 {offsets = [0, 5888], sizes = [2048, 128], strides = [1, 1]} : vector<2048x8192xf32> to vector<2048x128xf32>
    %sub3A_542 = vector.broadcast %get3A_8 : vector<2048x1xf32> to vector<2048x128xf32>
    %sub3A_543 = arith.subf %sub3A_542, %slice3A_541 : vector<2048x128xf32>
    %slice3A_544 = vector.extract_strided_slice %get3A_11 {offsets = [0, 5888], sizes = [1, 128], strides = [1, 1]} : vector<1x8192xf32> to vector<1x128xf32>
    %add3A_545 = vector.broadcast %slice3A_544 : vector<1x128xf32> to vector<2048x128xf32>
    %add3A_546 = arith.addf %sub3A_543, %add3A_545 : vector<2048x128xf32>
    %lt3A_547 = arith.cmpf olt, %add3A_546, %select_n3A_537 : vector<2048x128xf32>
    %select_n3A_548 = arith.select %lt3A_547, %add3A_546, %select_n3A_537 : vector<2048x128xi1>, vector<2048x128xf32>
    %jit3A_549 = arith.constant 14 : i32
    %broadcast_in_dim3A_550 = vector.broadcast %jit3A_549 : i32 to vector<2048x128xi32>
    %select_n3A_551 = arith.select %lt3A_547, %broadcast_in_dim3A_550, %select_n3A_540 : vector<2048x128xi1>, vector<2048x128xi32>
    %slice3A_552 = vector.extract_strided_slice %dot_general3A_5 {offsets = [0, 6016], sizes = [2048, 128], strides = [1, 1]} : vector<2048x8192xf32> to vector<2048x128xf32>
    %sub3A_553 = vector.broadcast %get3A_8 : vector<2048x1xf32> to vector<2048x128xf32>
    %sub3A_554 = arith.subf %sub3A_553, %slice3A_552 : vector<2048x128xf32>
    %slice3A_555 = vector.extract_strided_slice %get3A_11 {offsets = [0, 6016], sizes = [1, 128], strides = [1, 1]} : vector<1x8192xf32> to vector<1x128xf32>
    %add3A_556 = vector.broadcast %slice3A_555 : vector<1x128xf32> to vector<2048x128xf32>
    %add3A_557 = arith.addf %sub3A_554, %add3A_556 : vector<2048x128xf32>
    %lt3A_558 = arith.cmpf olt, %add3A_557, %select_n3A_548 : vector<2048x128xf32>
    %select_n3A_559 = arith.select %lt3A_558, %add3A_557, %select_n3A_548 : vector<2048x128xi1>, vector<2048x128xf32>
    %jit3A_560 = arith.constant 15 : i32
    %broadcast_in_dim3A_561 = vector.broadcast %jit3A_560 : i32 to vector<2048x128xi32>
    %select_n3A_562 = arith.select %lt3A_558, %broadcast_in_dim3A_561, %select_n3A_551 : vector<2048x128xi1>, vector<2048x128xi32>
    %reduce_min3A_563 = arith.constant dense<0x7F800000> : vector<2048xf32>
    %reduce_min3A_564 = vector.multi_reduction <minimumf>, %select_n3A_559, %reduce_min3A_563 [1] : vector<2048x128xf32> to vector<2048xf32>
    %broadcast_in_dim3A_565 = vector.shape_cast %reduce_min3A_564 : vector<2048xf32> to vector<2048x1xf32>
    %mul3A_566 = arith.constant 128 : i32
    %mul3A_567 = vector.broadcast %mul3A_566 : i32 to vector<2048x128xi32>
    %mul3A_568 = arith.muli %select_n3A_562, %mul3A_567 : vector<2048x128xi32>
    %add3A_569 = arith.addi %mul3A_568, %iota3A : vector<2048x128xi32>
    %add3A_570 = arith.constant 4096 : i32
    %add3A_571 = vector.broadcast %add3A_570 : i32 to vector<2048x128xi32>
    %add3A_572 = arith.addi %add3A_569, %add3A_571 : vector<2048x128xi32>
    %eq3A_573 = vector.broadcast %broadcast_in_dim3A_565 : vector<2048x1xf32> to vector<2048x128xf32>
    %eq3A_574 = arith.cmpf oeq, %select_n3A_559, %eq3A_573 : vector<2048x128xf32>
    %jit3A_575 = arith.constant 8192 : i32
    %broadcast_in_dim3A_576 = vector.broadcast %jit3A_575 : i32 to vector<2048x128xi32>
    %select_n3A_577 = arith.select %eq3A_574, %add3A_572, %broadcast_in_dim3A_576 : vector<2048x128xi1>, vector<2048x128xi32>
    %reduce_min3A_578 = arith.constant dense<2147483647> : vector<2048xi32>
    %reduce_min3A_579 = vector.multi_reduction <minsi>, %select_n3A_577, %reduce_min3A_578 [1] : vector<2048x128xi32> to vector<2048xi32>
    %broadcast_in_dim3A_580 = vector.shape_cast %reduce_min3A_579 : vector<2048xi32> to vector<2048x1xi32>
    %lt3A_581 = arith.cmpf olt, %broadcast_in_dim3A_565, %convert_element_type3A_388 : vector<2048x1xf32>
    %select_n3A_582 = arith.select %lt3A_581, %broadcast_in_dim3A_565, %convert_element_type3A_388 : vector<2048x1xi1>, vector<2048x1xf32>
    %convert_element_type3A_583 = arith.truncf %select_n3A_582 : vector<2048x1xf32> to vector<2048x1xbf16>
    %convert_element_type3A_584 = arith.extf %convert_element_type3A_583 : vector<2048x1xbf16> to vector<2048x1xf32>
    %select_n3A_585 = arith.select %lt3A_581, %broadcast_in_dim3A_580, %select_n3A_389 : vector<2048x1xi1>, vector<2048x1xi32>
    %slice3A_586 = vector.extract_strided_slice %dot_general3A_5 {offsets = [0, 6144], sizes = [2048, 128], strides = [1, 1]} : vector<2048x8192xf32> to vector<2048x128xf32>
    %sub3A_587 = vector.broadcast %get3A_8 : vector<2048x1xf32> to vector<2048x128xf32>
    %sub3A_588 = arith.subf %sub3A_587, %slice3A_586 : vector<2048x128xf32>
    %slice3A_589 = vector.extract_strided_slice %get3A_11 {offsets = [0, 6144], sizes = [1, 128], strides = [1, 1]} : vector<1x8192xf32> to vector<1x128xf32>
    %add3A_590 = vector.broadcast %slice3A_589 : vector<1x128xf32> to vector<2048x128xf32>
    %add3A_591 = arith.addf %sub3A_588, %add3A_590 : vector<2048x128xf32>
    %broadcast_in_dim3A_592 = arith.constant 0 : i32
    %broadcast_in_dim3A_593 = vector.broadcast %broadcast_in_dim3A_592 : i32 to vector<2048x128xi32>
    %slice3A_594 = vector.extract_strided_slice %dot_general3A_5 {offsets = [0, 6272], sizes = [2048, 128], strides = [1, 1]} : vector<2048x8192xf32> to vector<2048x128xf32>
    %sub3A_595 = vector.broadcast %get3A_8 : vector<2048x1xf32> to vector<2048x128xf32>
    %sub3A_596 = arith.subf %sub3A_595, %slice3A_594 : vector<2048x128xf32>
    %slice3A_597 = vector.extract_strided_slice %get3A_11 {offsets = [0, 6272], sizes = [1, 128], strides = [1, 1]} : vector<1x8192xf32> to vector<1x128xf32>
    %add3A_598 = vector.broadcast %slice3A_597 : vector<1x128xf32> to vector<2048x128xf32>
    %add3A_599 = arith.addf %sub3A_596, %add3A_598 : vector<2048x128xf32>
    %lt3A_600 = arith.cmpf olt, %add3A_599, %add3A_591 : vector<2048x128xf32>
    %select_n3A_601 = arith.select %lt3A_600, %add3A_599, %add3A_591 : vector<2048x128xi1>, vector<2048x128xf32>
    %jit3A_602 = arith.constant 1 : i32
    %broadcast_in_dim3A_603 = vector.broadcast %jit3A_602 : i32 to vector<2048x128xi32>
    %select_n3A_604 = arith.select %lt3A_600, %broadcast_in_dim3A_603, %broadcast_in_dim3A_593 : vector<2048x128xi1>, vector<2048x128xi32>
    %slice3A_605 = vector.extract_strided_slice %dot_general3A_5 {offsets = [0, 6400], sizes = [2048, 128], strides = [1, 1]} : vector<2048x8192xf32> to vector<2048x128xf32>
    %sub3A_606 = vector.broadcast %get3A_8 : vector<2048x1xf32> to vector<2048x128xf32>
    %sub3A_607 = arith.subf %sub3A_606, %slice3A_605 : vector<2048x128xf32>
    %slice3A_608 = vector.extract_strided_slice %get3A_11 {offsets = [0, 6400], sizes = [1, 128], strides = [1, 1]} : vector<1x8192xf32> to vector<1x128xf32>
    %add3A_609 = vector.broadcast %slice3A_608 : vector<1x128xf32> to vector<2048x128xf32>
    %add3A_610 = arith.addf %sub3A_607, %add3A_609 : vector<2048x128xf32>
    %lt3A_611 = arith.cmpf olt, %add3A_610, %select_n3A_601 : vector<2048x128xf32>
    %select_n3A_612 = arith.select %lt3A_611, %add3A_610, %select_n3A_601 : vector<2048x128xi1>, vector<2048x128xf32>
    %jit3A_613 = arith.constant 2 : i32
    %broadcast_in_dim3A_614 = vector.broadcast %jit3A_613 : i32 to vector<2048x128xi32>
    %select_n3A_615 = arith.select %lt3A_611, %broadcast_in_dim3A_614, %select_n3A_604 : vector<2048x128xi1>, vector<2048x128xi32>
    %slice3A_616 = vector.extract_strided_slice %dot_general3A_5 {offsets = [0, 6528], sizes = [2048, 128], strides = [1, 1]} : vector<2048x8192xf32> to vector<2048x128xf32>
    %sub3A_617 = vector.broadcast %get3A_8 : vector<2048x1xf32> to vector<2048x128xf32>
    %sub3A_618 = arith.subf %sub3A_617, %slice3A_616 : vector<2048x128xf32>
    %slice3A_619 = vector.extract_strided_slice %get3A_11 {offsets = [0, 6528], sizes = [1, 128], strides = [1, 1]} : vector<1x8192xf32> to vector<1x128xf32>
    %add3A_620 = vector.broadcast %slice3A_619 : vector<1x128xf32> to vector<2048x128xf32>
    %add3A_621 = arith.addf %sub3A_618, %add3A_620 : vector<2048x128xf32>
    %lt3A_622 = arith.cmpf olt, %add3A_621, %select_n3A_612 : vector<2048x128xf32>
    %select_n3A_623 = arith.select %lt3A_622, %add3A_621, %select_n3A_612 : vector<2048x128xi1>, vector<2048x128xf32>
    %jit3A_624 = arith.constant 3 : i32
    %broadcast_in_dim3A_625 = vector.broadcast %jit3A_624 : i32 to vector<2048x128xi32>
    %select_n3A_626 = arith.select %lt3A_622, %broadcast_in_dim3A_625, %select_n3A_615 : vector<2048x128xi1>, vector<2048x128xi32>
    %slice3A_627 = vector.extract_strided_slice %dot_general3A_5 {offsets = [0, 6656], sizes = [2048, 128], strides = [1, 1]} : vector<2048x8192xf32> to vector<2048x128xf32>
    %sub3A_628 = vector.broadcast %get3A_8 : vector<2048x1xf32> to vector<2048x128xf32>
    %sub3A_629 = arith.subf %sub3A_628, %slice3A_627 : vector<2048x128xf32>
    %slice3A_630 = vector.extract_strided_slice %get3A_11 {offsets = [0, 6656], sizes = [1, 128], strides = [1, 1]} : vector<1x8192xf32> to vector<1x128xf32>
    %add3A_631 = vector.broadcast %slice3A_630 : vector<1x128xf32> to vector<2048x128xf32>
    %add3A_632 = arith.addf %sub3A_629, %add3A_631 : vector<2048x128xf32>
    %lt3A_633 = arith.cmpf olt, %add3A_632, %select_n3A_623 : vector<2048x128xf32>
    %select_n3A_634 = arith.select %lt3A_633, %add3A_632, %select_n3A_623 : vector<2048x128xi1>, vector<2048x128xf32>
    %jit3A_635 = arith.constant 4 : i32
    %broadcast_in_dim3A_636 = vector.broadcast %jit3A_635 : i32 to vector<2048x128xi32>
    %select_n3A_637 = arith.select %lt3A_633, %broadcast_in_dim3A_636, %select_n3A_626 : vector<2048x128xi1>, vector<2048x128xi32>
    %slice3A_638 = vector.extract_strided_slice %dot_general3A_5 {offsets = [0, 6784], sizes = [2048, 128], strides = [1, 1]} : vector<2048x8192xf32> to vector<2048x128xf32>
    %sub3A_639 = vector.broadcast %get3A_8 : vector<2048x1xf32> to vector<2048x128xf32>
    %sub3A_640 = arith.subf %sub3A_639, %slice3A_638 : vector<2048x128xf32>
    %slice3A_641 = vector.extract_strided_slice %get3A_11 {offsets = [0, 6784], sizes = [1, 128], strides = [1, 1]} : vector<1x8192xf32> to vector<1x128xf32>
    %add3A_642 = vector.broadcast %slice3A_641 : vector<1x128xf32> to vector<2048x128xf32>
    %add3A_643 = arith.addf %sub3A_640, %add3A_642 : vector<2048x128xf32>
    %lt3A_644 = arith.cmpf olt, %add3A_643, %select_n3A_634 : vector<2048x128xf32>
    %select_n3A_645 = arith.select %lt3A_644, %add3A_643, %select_n3A_634 : vector<2048x128xi1>, vector<2048x128xf32>
    %jit3A_646 = arith.constant 5 : i32
    %broadcast_in_dim3A_647 = vector.broadcast %jit3A_646 : i32 to vector<2048x128xi32>
    %select_n3A_648 = arith.select %lt3A_644, %broadcast_in_dim3A_647, %select_n3A_637 : vector<2048x128xi1>, vector<2048x128xi32>
    %slice3A_649 = vector.extract_strided_slice %dot_general3A_5 {offsets = [0, 6912], sizes = [2048, 128], strides = [1, 1]} : vector<2048x8192xf32> to vector<2048x128xf32>
    %sub3A_650 = vector.broadcast %get3A_8 : vector<2048x1xf32> to vector<2048x128xf32>
    %sub3A_651 = arith.subf %sub3A_650, %slice3A_649 : vector<2048x128xf32>
    %slice3A_652 = vector.extract_strided_slice %get3A_11 {offsets = [0, 6912], sizes = [1, 128], strides = [1, 1]} : vector<1x8192xf32> to vector<1x128xf32>
    %add3A_653 = vector.broadcast %slice3A_652 : vector<1x128xf32> to vector<2048x128xf32>
    %add3A_654 = arith.addf %sub3A_651, %add3A_653 : vector<2048x128xf32>
    %lt3A_655 = arith.cmpf olt, %add3A_654, %select_n3A_645 : vector<2048x128xf32>
    %select_n3A_656 = arith.select %lt3A_655, %add3A_654, %select_n3A_645 : vector<2048x128xi1>, vector<2048x128xf32>
    %jit3A_657 = arith.constant 6 : i32
    %broadcast_in_dim3A_658 = vector.broadcast %jit3A_657 : i32 to vector<2048x128xi32>
    %select_n3A_659 = arith.select %lt3A_655, %broadcast_in_dim3A_658, %select_n3A_648 : vector<2048x128xi1>, vector<2048x128xi32>
    %slice3A_660 = vector.extract_strided_slice %dot_general3A_5 {offsets = [0, 7040], sizes = [2048, 128], strides = [1, 1]} : vector<2048x8192xf32> to vector<2048x128xf32>
    %sub3A_661 = vector.broadcast %get3A_8 : vector<2048x1xf32> to vector<2048x128xf32>
    %sub3A_662 = arith.subf %sub3A_661, %slice3A_660 : vector<2048x128xf32>
    %slice3A_663 = vector.extract_strided_slice %get3A_11 {offsets = [0, 7040], sizes = [1, 128], strides = [1, 1]} : vector<1x8192xf32> to vector<1x128xf32>
    %add3A_664 = vector.broadcast %slice3A_663 : vector<1x128xf32> to vector<2048x128xf32>
    %add3A_665 = arith.addf %sub3A_662, %add3A_664 : vector<2048x128xf32>
    %lt3A_666 = arith.cmpf olt, %add3A_665, %select_n3A_656 : vector<2048x128xf32>
    %select_n3A_667 = arith.select %lt3A_666, %add3A_665, %select_n3A_656 : vector<2048x128xi1>, vector<2048x128xf32>
    %jit3A_668 = arith.constant 7 : i32
    %broadcast_in_dim3A_669 = vector.broadcast %jit3A_668 : i32 to vector<2048x128xi32>
    %select_n3A_670 = arith.select %lt3A_666, %broadcast_in_dim3A_669, %select_n3A_659 : vector<2048x128xi1>, vector<2048x128xi32>
    %slice3A_671 = vector.extract_strided_slice %dot_general3A_5 {offsets = [0, 7168], sizes = [2048, 128], strides = [1, 1]} : vector<2048x8192xf32> to vector<2048x128xf32>
    %sub3A_672 = vector.broadcast %get3A_8 : vector<2048x1xf32> to vector<2048x128xf32>
    %sub3A_673 = arith.subf %sub3A_672, %slice3A_671 : vector<2048x128xf32>
    %slice3A_674 = vector.extract_strided_slice %get3A_11 {offsets = [0, 7168], sizes = [1, 128], strides = [1, 1]} : vector<1x8192xf32> to vector<1x128xf32>
    %add3A_675 = vector.broadcast %slice3A_674 : vector<1x128xf32> to vector<2048x128xf32>
    %add3A_676 = arith.addf %sub3A_673, %add3A_675 : vector<2048x128xf32>
    %lt3A_677 = arith.cmpf olt, %add3A_676, %select_n3A_667 : vector<2048x128xf32>
    %select_n3A_678 = arith.select %lt3A_677, %add3A_676, %select_n3A_667 : vector<2048x128xi1>, vector<2048x128xf32>
    %jit3A_679 = arith.constant 8 : i32
    %broadcast_in_dim3A_680 = vector.broadcast %jit3A_679 : i32 to vector<2048x128xi32>
    %select_n3A_681 = arith.select %lt3A_677, %broadcast_in_dim3A_680, %select_n3A_670 : vector<2048x128xi1>, vector<2048x128xi32>
    %slice3A_682 = vector.extract_strided_slice %dot_general3A_5 {offsets = [0, 7296], sizes = [2048, 128], strides = [1, 1]} : vector<2048x8192xf32> to vector<2048x128xf32>
    %sub3A_683 = vector.broadcast %get3A_8 : vector<2048x1xf32> to vector<2048x128xf32>
    %sub3A_684 = arith.subf %sub3A_683, %slice3A_682 : vector<2048x128xf32>
    %slice3A_685 = vector.extract_strided_slice %get3A_11 {offsets = [0, 7296], sizes = [1, 128], strides = [1, 1]} : vector<1x8192xf32> to vector<1x128xf32>
    %add3A_686 = vector.broadcast %slice3A_685 : vector<1x128xf32> to vector<2048x128xf32>
    %add3A_687 = arith.addf %sub3A_684, %add3A_686 : vector<2048x128xf32>
    %lt3A_688 = arith.cmpf olt, %add3A_687, %select_n3A_678 : vector<2048x128xf32>
    %select_n3A_689 = arith.select %lt3A_688, %add3A_687, %select_n3A_678 : vector<2048x128xi1>, vector<2048x128xf32>
    %jit3A_690 = arith.constant 9 : i32
    %broadcast_in_dim3A_691 = vector.broadcast %jit3A_690 : i32 to vector<2048x128xi32>
    %select_n3A_692 = arith.select %lt3A_688, %broadcast_in_dim3A_691, %select_n3A_681 : vector<2048x128xi1>, vector<2048x128xi32>
    %slice3A_693 = vector.extract_strided_slice %dot_general3A_5 {offsets = [0, 7424], sizes = [2048, 128], strides = [1, 1]} : vector<2048x8192xf32> to vector<2048x128xf32>
    %sub3A_694 = vector.broadcast %get3A_8 : vector<2048x1xf32> to vector<2048x128xf32>
    %sub3A_695 = arith.subf %sub3A_694, %slice3A_693 : vector<2048x128xf32>
    %slice3A_696 = vector.extract_strided_slice %get3A_11 {offsets = [0, 7424], sizes = [1, 128], strides = [1, 1]} : vector<1x8192xf32> to vector<1x128xf32>
    %add3A_697 = vector.broadcast %slice3A_696 : vector<1x128xf32> to vector<2048x128xf32>
    %add3A_698 = arith.addf %sub3A_695, %add3A_697 : vector<2048x128xf32>
    %lt3A_699 = arith.cmpf olt, %add3A_698, %select_n3A_689 : vector<2048x128xf32>
    %select_n3A_700 = arith.select %lt3A_699, %add3A_698, %select_n3A_689 : vector<2048x128xi1>, vector<2048x128xf32>
    %jit3A_701 = arith.constant 10 : i32
    %broadcast_in_dim3A_702 = vector.broadcast %jit3A_701 : i32 to vector<2048x128xi32>
    %select_n3A_703 = arith.select %lt3A_699, %broadcast_in_dim3A_702, %select_n3A_692 : vector<2048x128xi1>, vector<2048x128xi32>
    %slice3A_704 = vector.extract_strided_slice %dot_general3A_5 {offsets = [0, 7552], sizes = [2048, 128], strides = [1, 1]} : vector<2048x8192xf32> to vector<2048x128xf32>
    %sub3A_705 = vector.broadcast %get3A_8 : vector<2048x1xf32> to vector<2048x128xf32>
    %sub3A_706 = arith.subf %sub3A_705, %slice3A_704 : vector<2048x128xf32>
    %slice3A_707 = vector.extract_strided_slice %get3A_11 {offsets = [0, 7552], sizes = [1, 128], strides = [1, 1]} : vector<1x8192xf32> to vector<1x128xf32>
    %add3A_708 = vector.broadcast %slice3A_707 : vector<1x128xf32> to vector<2048x128xf32>
    %add3A_709 = arith.addf %sub3A_706, %add3A_708 : vector<2048x128xf32>
    %lt3A_710 = arith.cmpf olt, %add3A_709, %select_n3A_700 : vector<2048x128xf32>
    %select_n3A_711 = arith.select %lt3A_710, %add3A_709, %select_n3A_700 : vector<2048x128xi1>, vector<2048x128xf32>
    %jit3A_712 = arith.constant 11 : i32
    %broadcast_in_dim3A_713 = vector.broadcast %jit3A_712 : i32 to vector<2048x128xi32>
    %select_n3A_714 = arith.select %lt3A_710, %broadcast_in_dim3A_713, %select_n3A_703 : vector<2048x128xi1>, vector<2048x128xi32>
    %slice3A_715 = vector.extract_strided_slice %dot_general3A_5 {offsets = [0, 7680], sizes = [2048, 128], strides = [1, 1]} : vector<2048x8192xf32> to vector<2048x128xf32>
    %sub3A_716 = vector.broadcast %get3A_8 : vector<2048x1xf32> to vector<2048x128xf32>
    %sub3A_717 = arith.subf %sub3A_716, %slice3A_715 : vector<2048x128xf32>
    %slice3A_718 = vector.extract_strided_slice %get3A_11 {offsets = [0, 7680], sizes = [1, 128], strides = [1, 1]} : vector<1x8192xf32> to vector<1x128xf32>
    %add3A_719 = vector.broadcast %slice3A_718 : vector<1x128xf32> to vector<2048x128xf32>
    %add3A_720 = arith.addf %sub3A_717, %add3A_719 : vector<2048x128xf32>
    %lt3A_721 = arith.cmpf olt, %add3A_720, %select_n3A_711 : vector<2048x128xf32>
    %select_n3A_722 = arith.select %lt3A_721, %add3A_720, %select_n3A_711 : vector<2048x128xi1>, vector<2048x128xf32>
    %jit3A_723 = arith.constant 12 : i32
    %broadcast_in_dim3A_724 = vector.broadcast %jit3A_723 : i32 to vector<2048x128xi32>
    %select_n3A_725 = arith.select %lt3A_721, %broadcast_in_dim3A_724, %select_n3A_714 : vector<2048x128xi1>, vector<2048x128xi32>
    %slice3A_726 = vector.extract_strided_slice %dot_general3A_5 {offsets = [0, 7808], sizes = [2048, 128], strides = [1, 1]} : vector<2048x8192xf32> to vector<2048x128xf32>
    %sub3A_727 = vector.broadcast %get3A_8 : vector<2048x1xf32> to vector<2048x128xf32>
    %sub3A_728 = arith.subf %sub3A_727, %slice3A_726 : vector<2048x128xf32>
    %slice3A_729 = vector.extract_strided_slice %get3A_11 {offsets = [0, 7808], sizes = [1, 128], strides = [1, 1]} : vector<1x8192xf32> to vector<1x128xf32>
    %add3A_730 = vector.broadcast %slice3A_729 : vector<1x128xf32> to vector<2048x128xf32>
    %add3A_731 = arith.addf %sub3A_728, %add3A_730 : vector<2048x128xf32>
    %lt3A_732 = arith.cmpf olt, %add3A_731, %select_n3A_722 : vector<2048x128xf32>
    %select_n3A_733 = arith.select %lt3A_732, %add3A_731, %select_n3A_722 : vector<2048x128xi1>, vector<2048x128xf32>
    %jit3A_734 = arith.constant 13 : i32
    %broadcast_in_dim3A_735 = vector.broadcast %jit3A_734 : i32 to vector<2048x128xi32>
    %select_n3A_736 = arith.select %lt3A_732, %broadcast_in_dim3A_735, %select_n3A_725 : vector<2048x128xi1>, vector<2048x128xi32>
    %slice3A_737 = vector.extract_strided_slice %dot_general3A_5 {offsets = [0, 7936], sizes = [2048, 128], strides = [1, 1]} : vector<2048x8192xf32> to vector<2048x128xf32>
    %sub3A_738 = vector.broadcast %get3A_8 : vector<2048x1xf32> to vector<2048x128xf32>
    %sub3A_739 = arith.subf %sub3A_738, %slice3A_737 : vector<2048x128xf32>
    %slice3A_740 = vector.extract_strided_slice %get3A_11 {offsets = [0, 7936], sizes = [1, 128], strides = [1, 1]} : vector<1x8192xf32> to vector<1x128xf32>
    %add3A_741 = vector.broadcast %slice3A_740 : vector<1x128xf32> to vector<2048x128xf32>
    %add3A_742 = arith.addf %sub3A_739, %add3A_741 : vector<2048x128xf32>
    %lt3A_743 = arith.cmpf olt, %add3A_742, %select_n3A_733 : vector<2048x128xf32>
    %select_n3A_744 = arith.select %lt3A_743, %add3A_742, %select_n3A_733 : vector<2048x128xi1>, vector<2048x128xf32>
    %jit3A_745 = arith.constant 14 : i32
    %broadcast_in_dim3A_746 = vector.broadcast %jit3A_745 : i32 to vector<2048x128xi32>
    %select_n3A_747 = arith.select %lt3A_743, %broadcast_in_dim3A_746, %select_n3A_736 : vector<2048x128xi1>, vector<2048x128xi32>
    %slice3A_748 = vector.extract_strided_slice %dot_general3A_5 {offsets = [0, 8064], sizes = [2048, 128], strides = [1, 1]} : vector<2048x8192xf32> to vector<2048x128xf32>
    %sub3A_749 = vector.broadcast %get3A_8 : vector<2048x1xf32> to vector<2048x128xf32>
    %sub3A_750 = arith.subf %sub3A_749, %slice3A_748 : vector<2048x128xf32>
    %slice3A_751 = vector.extract_strided_slice %get3A_11 {offsets = [0, 8064], sizes = [1, 128], strides = [1, 1]} : vector<1x8192xf32> to vector<1x128xf32>
    %add3A_752 = vector.broadcast %slice3A_751 : vector<1x128xf32> to vector<2048x128xf32>
    %add3A_753 = arith.addf %sub3A_750, %add3A_752 : vector<2048x128xf32>
    %lt3A_754 = arith.cmpf olt, %add3A_753, %select_n3A_744 : vector<2048x128xf32>
    %select_n3A_755 = arith.select %lt3A_754, %add3A_753, %select_n3A_744 : vector<2048x128xi1>, vector<2048x128xf32>
    %jit3A_756 = arith.constant 15 : i32
    %broadcast_in_dim3A_757 = vector.broadcast %jit3A_756 : i32 to vector<2048x128xi32>
    %select_n3A_758 = arith.select %lt3A_754, %broadcast_in_dim3A_757, %select_n3A_747 : vector<2048x128xi1>, vector<2048x128xi32>
    %reduce_min3A_759 = arith.constant dense<0x7F800000> : vector<2048xf32>
    %reduce_min3A_760 = vector.multi_reduction <minimumf>, %select_n3A_755, %reduce_min3A_759 [1] : vector<2048x128xf32> to vector<2048xf32>
    %broadcast_in_dim3A_761 = vector.shape_cast %reduce_min3A_760 : vector<2048xf32> to vector<2048x1xf32>
    %mul3A_762 = arith.constant 128 : i32
    %mul3A_763 = vector.broadcast %mul3A_762 : i32 to vector<2048x128xi32>
    %mul3A_764 = arith.muli %select_n3A_758, %mul3A_763 : vector<2048x128xi32>
    %add3A_765 = arith.addi %mul3A_764, %iota3A : vector<2048x128xi32>
    %add3A_766 = arith.constant 6144 : i32
    %add3A_767 = vector.broadcast %add3A_766 : i32 to vector<2048x128xi32>
    %add3A_768 = arith.addi %add3A_765, %add3A_767 : vector<2048x128xi32>
    %eq3A_769 = vector.broadcast %broadcast_in_dim3A_761 : vector<2048x1xf32> to vector<2048x128xf32>
    %eq3A_770 = arith.cmpf oeq, %select_n3A_755, %eq3A_769 : vector<2048x128xf32>
    %jit3A_771 = arith.constant 8192 : i32
    %broadcast_in_dim3A_772 = vector.broadcast %jit3A_771 : i32 to vector<2048x128xi32>
    %select_n3A_773 = arith.select %eq3A_770, %add3A_768, %broadcast_in_dim3A_772 : vector<2048x128xi1>, vector<2048x128xi32>
    %reduce_min3A_774 = arith.constant dense<2147483647> : vector<2048xi32>
    %reduce_min3A_775 = vector.multi_reduction <minsi>, %select_n3A_773, %reduce_min3A_774 [1] : vector<2048x128xi32> to vector<2048xi32>
    %broadcast_in_dim3A_776 = vector.shape_cast %reduce_min3A_775 : vector<2048xi32> to vector<2048x1xi32>
    %lt3A_777 = arith.cmpf olt, %broadcast_in_dim3A_761, %convert_element_type3A_584 : vector<2048x1xf32>
    %select_n3A_778 = arith.select %lt3A_777, %broadcast_in_dim3A_776, %select_n3A_585 : vector<2048x1xi1>, vector<2048x1xi32>
    %swap3A = arith.constant 0 : index
    %swap3A_779 = arith.constant 0 : index
    %swap3A_780 = vector.load %arg5[%swap3A, %swap3A_779] : memref<2048x1xi32, #tpu.memory_space<vmem>>, vector<2048x1xi32>
    tpu.vector_store %arg5[%swap3A, %swap3A_779], %select_n3A_778 {strides = array<i32>} : memref<2048x1xi32, #tpu.memory_space<vmem>>, vector<2048x1xi32>,
    return
  }
  func.func @transform_0(%arg0: i32) -> (i32, i32) {
    %c0_i32 = arith.constant 0 : i32
    %c0_i32_0 = arith.constant 0 : i32
    return %arg0, %c0_i32 : i32, i32
  }
  func.func @transform_1(%arg0: i32) -> (i32, i32) {
    %c0_i32 = arith.constant 0 : i32
    %c0_i32_0 = arith.constant 0 : i32
    return %arg0, %c0_i32 : i32, i32
  }
  func.func @transform_2(%arg0: i32) -> (i32, i32) {
    %c0_i32 = arith.constant 0 : i32
    %c0_i32_0 = arith.constant 0 : i32
    %c0_i32_1 = arith.constant 0 : i32
    return %c0_i32, %c0_i32_0 : i32, i32
  }
  func.func @transform_3(%arg0: i32) -> (i32, i32) {
    %c0_i32 = arith.constant 0 : i32
    %c0_i32_0 = arith.constant 0 : i32
    %c0_i32_1 = arith.constant 0 : i32
    return %c0_i32, %c0_i32_0 : i32, i32
  }
  func.func @transform_4(%arg0: i32) -> (i32, i32) {
    %c0_i32 = arith.constant 0 : i32
    %c0_i32_0 = arith.constant 0 : i32
    return %arg0, %c0_i32 : i32, i32
  }
}

module attributes {stable_mosaic.version = 14 : i64} {
  func.func @_rotation_body(%arg0: i32, %arg1: memref<8192x32xf32, #tpu.memory_space<vmem>>, %arg2: memref<8192x32xf32, #tpu.memory_space<vmem>>, %arg3: memref<8192x32xf32, #tpu.memory_space<vmem>>, %arg4: memref<1x1xf32, #tpu.memory_space<vmem>>) attributes {dimension_semantics = [#tpu.dimension_semantics<arbitrary>], iteration_bounds = array<i64: 1>, scalar_prefetch = 0 : i64, scratch_operands = 0 : i64, tpu.core_type = #tpu.core_type<tc>, window_params = [{transform_indices = @transform_0, window_bounds = array<i64: 8192, 32>}, {transform_indices = @transform_1, window_bounds = array<i64: 8192, 32>}, {transform_indices = @transform_2, window_bounds = array<i64: 8192, 32>}, {pipeline_mode = #tpu.pipeline_mode<synchronous>, transform_indices = @transform_3, window_bounds = array<i64: 1, 1>}]} {
    %get3A = arith.constant 0 : index
    %get3A_0 = arith.constant 0 : index
    %get3A_1 = vector.load %arg1[%get3A, %get3A_0] : memref<8192x32xf32, #tpu.memory_space<vmem>>, vector<8192x32xf32>
    %get3A_2 = arith.constant 0 : index
    %get3A_3 = arith.constant 0 : index
    %get3A_4 = vector.load %arg2[%get3A_2, %get3A_3] : memref<8192x32xf32, #tpu.memory_space<vmem>>, vector<8192x32xf32>
    %mul3A = arith.mulf %get3A_1, %get3A_1 : vector<8192x32xf32>
    %reduce_sum3A = arith.constant dense<0.000000e+00> : vector<8192xf32>
    %reduce_sum3A_5 = vector.multi_reduction <add>, %mul3A, %reduce_sum3A [1] : vector<8192x32xf32> to vector<8192xf32>
    %broadcast_in_dim3A = vector.shape_cast %reduce_sum3A_5 : vector<8192xf32> to vector<8192x1xf32>
    %sqrt3A = math.sqrt %broadcast_in_dim3A : vector<8192x1xf32>
    %mul3A_6 = arith.mulf %get3A_4, %get3A_4 : vector<8192x32xf32>
    %reduce_sum3A_7 = arith.constant dense<0.000000e+00> : vector<8192xf32>
    %reduce_sum3A_8 = vector.multi_reduction <add>, %mul3A_6, %reduce_sum3A_7 [1] : vector<8192x32xf32> to vector<8192xf32>
    %broadcast_in_dim3A_9 = vector.shape_cast %reduce_sum3A_8 : vector<8192xf32> to vector<8192x1xf32>
    %sqrt3A_10 = math.sqrt %broadcast_in_dim3A_9 : vector<8192x1xf32>
    %add3A = arith.constant 9.99999997E-7 : f32
    %add3A_11 = vector.broadcast %add3A : f32 to vector<8192x1xf32>
    %add3A_12 = arith.addf %sqrt3A, %add3A_11 : vector<8192x1xf32>
    %div3A = vector.broadcast %add3A_12 : vector<8192x1xf32> to vector<8192x32xf32>
    %div3A_13 = arith.divf %get3A_1, %div3A : vector<8192x32xf32>
    %add3A_14 = arith.constant 9.99999997E-7 : f32
    %add3A_15 = vector.broadcast %add3A_14 : f32 to vector<8192x1xf32>
    %add3A_16 = arith.addf %sqrt3A_10, %add3A_15 : vector<8192x1xf32>
    %div3A_17 = vector.broadcast %add3A_16 : vector<8192x1xf32> to vector<8192x32xf32>
    %div3A_18 = arith.divf %get3A_4, %div3A_17 : vector<8192x32xf32>
    %sub3A = arith.subf %div3A_13, %div3A_18 : vector<8192x32xf32>
    %mul3A_19 = arith.mulf %sub3A, %sub3A : vector<8192x32xf32>
    %reduce_sum3A_20 = arith.constant dense<0.000000e+00> : vector<8192xf32>
    %reduce_sum3A_21 = vector.multi_reduction <add>, %mul3A_19, %reduce_sum3A_20 [1] : vector<8192x32xf32> to vector<8192xf32>
    %broadcast_in_dim3A_22 = vector.shape_cast %reduce_sum3A_21 : vector<8192xf32> to vector<8192x1xf32>
    %sqrt3A_23 = math.sqrt %broadcast_in_dim3A_22 : vector<8192x1xf32>
    %add3A_24 = arith.constant 9.99999997E-7 : f32
    %add3A_25 = vector.broadcast %add3A_24 : f32 to vector<8192x1xf32>
    %add3A_26 = arith.addf %sqrt3A_23, %add3A_25 : vector<8192x1xf32>
    %div3A_27 = vector.broadcast %add3A_26 : vector<8192x1xf32> to vector<8192x32xf32>
    %div3A_28 = arith.divf %sub3A, %div3A_27 : vector<8192x32xf32>
    %mul3A_29 = arith.mulf %div3A_28, %get3A_1 : vector<8192x32xf32>
    %reduce_sum3A_30 = arith.constant dense<0.000000e+00> : vector<8192xf32>
    %reduce_sum3A_31 = vector.multi_reduction <add>, %mul3A_29, %reduce_sum3A_30 [1] : vector<8192x32xf32> to vector<8192xf32>
    %broadcast_in_dim3A_32 = vector.shape_cast %reduce_sum3A_31 : vector<8192xf32> to vector<8192x1xf32>
    %mul3A_33 = arith.constant 2.000000e+00 : f32
    %mul3A_34 = vector.broadcast %mul3A_33 : f32 to vector<8192x1xf32>
    %mul3A_35 = arith.mulf %mul3A_34, %broadcast_in_dim3A_32 : vector<8192x1xf32>
    %mul3A_36 = vector.broadcast %mul3A_35 : vector<8192x1xf32> to vector<8192x32xf32>
    %mul3A_37 = arith.mulf %mul3A_36, %div3A_28 : vector<8192x32xf32>
    %sub3A_38 = arith.subf %get3A_1, %mul3A_37 : vector<8192x32xf32>
    %add3A_39 = arith.constant 9.99999997E-7 : f32
    %add3A_40 = vector.broadcast %add3A_39 : f32 to vector<8192x1xf32>
    %add3A_41 = arith.addf %sqrt3A, %add3A_40 : vector<8192x1xf32>
    %div3A_42 = arith.divf %sqrt3A_10, %add3A_41 : vector<8192x1xf32>
    %mul3A_43 = vector.broadcast %div3A_42 : vector<8192x1xf32> to vector<8192x32xf32>
    %mul3A_44 = arith.mulf %mul3A_43, %sub3A_38 : vector<8192x32xf32>
    %swap3A = arith.constant 0 : index
    %swap3A_45 = arith.constant 0 : index
    %swap3A_46 = vector.load %arg3[%swap3A, %swap3A_45] : memref<8192x32xf32, #tpu.memory_space<vmem>>, vector<8192x32xf32>
    tpu.vector_store %arg3[%swap3A, %swap3A_45], %mul3A_44 {strides = array<i32>} : memref<8192x32xf32, #tpu.memory_space<vmem>>, vector<8192x32xf32>,
    %eq3A = arith.constant 0 : i32
    %eq3A_47 = arith.cmpi eq, %arg0, %eq3A : i32
    %convert_element_type3A = arith.extui %eq3A_47 : i1 to i32
    %cond3A = arith.constant 0 : i32
    %cond3A_48 = arith.cmpi ne, %convert_element_type3A, %cond3A : i32
    scf.if %cond3A_48 {
      %broadcast_in_dim3A_63 = arith.constant 0.000000e+00 : f32
      %broadcast_in_dim3A_64 = vector.broadcast %broadcast_in_dim3A_63 : f32 to vector<1x1xf32>
      %swap3A_65 = arith.constant 0 : index
      %swap3A_66 = arith.constant 0 : index
      %swap3A_67 = vector.load %arg4[%swap3A_65, %swap3A_66] : memref<1x1xf32, #tpu.memory_space<vmem>>, vector<1x1xf32>
      tpu.vector_store %arg4[%swap3A_65, %swap3A_66], %broadcast_in_dim3A_64 {strides = array<i32>} : memref<1x1xf32, #tpu.memory_space<vmem>>, vector<1x1xf32>,
    } else {
    }
    %sub3A_49 = arith.subf %get3A_1, %get3A_4 : vector<8192x32xf32>
    %get3A_50 = arith.constant 0 : index
    %get3A_51 = arith.constant 0 : index
    %get3A_52 = vector.load %arg4[%get3A_50, %get3A_51] : memref<1x1xf32, #tpu.memory_space<vmem>>, vector<1x1xf32>
    %mul3A_53 = arith.mulf %sub3A_49, %sub3A_49 : vector<8192x32xf32>
    %reduce_sum3A_54 = vector.shape_cast %mul3A_53 : vector<8192x32xf32> to vector<1x8192x32xf32>
    %reduce_sum3A_55 = arith.constant dense<0.000000e+00> : vector<1xf32>
    %reduce_sum3A_56 = vector.multi_reduction <add>, %reduce_sum3A_54, %reduce_sum3A_55 [1, 2] : vector<1x8192x32xf32> to vector<1xf32>
    %reduce_sum3A_57 = vector.shape_cast %reduce_sum3A_56 : vector<1xf32> to vector<1x1x1xf32>
    %reduce_sum3A_58 = vector.extract %reduce_sum3A_57[0, 0, 0] : f32 from vector<1x1x1xf32>
    %reshape3A = vector.broadcast %reduce_sum3A_58 : f32 to vector<1x1xf32>
    %add3A_59 = arith.addf %get3A_52, %reshape3A : vector<1x1xf32>
    %swap3A_60 = arith.constant 0 : index
    %swap3A_61 = arith.constant 0 : index
    %swap3A_62 = vector.load %arg4[%swap3A_60, %swap3A_61] : memref<1x1xf32, #tpu.memory_space<vmem>>, vector<1x1xf32>
    tpu.vector_store %arg4[%swap3A_60, %swap3A_61], %add3A_59 {strides = array<i32>} : memref<1x1xf32, #tpu.memory_space<vmem>>, vector<1x1xf32>,
    return
  }
  func.func @transform_0(%arg0: i32) -> (i32, i32) {
    %c0_i32 = arith.constant 0 : i32
    %c0_i32_0 = arith.constant 0 : i32
    return %arg0, %c0_i32 : i32, i32
  }
  func.func @transform_1(%arg0: i32) -> (i32, i32) {
    %c0_i32 = arith.constant 0 : i32
    %c0_i32_0 = arith.constant 0 : i32
    return %arg0, %c0_i32 : i32, i32
  }
  func.func @transform_2(%arg0: i32) -> (i32, i32) {
    %c0_i32 = arith.constant 0 : i32
    %c0_i32_0 = arith.constant 0 : i32
    return %arg0, %c0_i32 : i32, i32
  }
  func.func @transform_3(%arg0: i32) -> (i32, i32) {
    %c0_i32 = arith.constant 0 : i32
    %c0_i32_0 = arith.constant 0 : i32
    %c0_i32_1 = arith.constant 0 : i32
    return %c0_i32, %c0_i32_0 : i32, i32
  }
}

</mosaic_0001>

<sc_bundles>
// kernel: kernel.5.cloned.1.call-start
scs
__scs_entry_jumppad:
0x0: {  	(pc) =	sbr.rel $0x88, $3  }
0x1: {  	(tag) =	ssettag $0x0;
	lr =	simm.s32 $0x1  }
0x2: {  	[smem:$0x3F9F] =	sst lr;
	_ =	strace $0xD0000000  }
0x3: {  	_ = 	snop  }
0x4: {  	_ = 	snop  }
0x5: {  	_ = 	snop  }
0x6: {  	_ = 	snop  }
0x7: {  	_ = 	snop  }
__scs_overlays_trampoline_lowered:
0x8: {  	[smem:$0x3FAE] =	sst s0  }
0x9: {  	[smem:$0x3FAF] =	sst s1  }
0xa: {  	[smem:$0x3FB0] =	sst s2  }
0xb: {  	[smem:$0x3FB1] =	sst s3  }
0xc: {  	[smem:$0x3FB2] =	sst s4  }
0xd: {  	[smem:$0x3FB3] =	sst s5  }
0xe: {  	[smem:$0x3FB4] =	sst s6  }
0xf: {  	[smem:$0x3FB5] =	sst s7  }
0x10: {  	[smem:$0x3FB6] =	sst s8  }
0x11: {  	[smem:$0x3FB7] =	sst s9;
	s0 =	simm.s32 @!p0 $0x0  }
0x12: {  	s1 =	sld [smem:$0x3F9D];
	s0 =	simm.s32 @p0 $0x1  }
0x13: {  	[smem:$0x3FB8] =	sst s0;
	s0 =	simm.s32 @!p1 $0x0  }
0x14: {  	s2 =	sld [smem:$0x3F9C];
	s0 =	simm.s32 @p1 $0x1  }
0x15: {  	[smem:$0x3FB9] =	sst s0;
	s0 =	simm.s32 @!p2 $0x0  }
0x16: {  	s3 =	sld [smem:$0x3FDB];
	s0 =	simm.s32 @p2 $0x1  }
0x17: {  	s4 =	simm.s32 $0x1BF5;
	[smem:$0x3FBB] =	sst s0  }
0x18: {  	s0 =	sld [smem:$0x3F9E];
	_ =	swait.ge [sflag:s4], $0x0  }
0x19: {  	s7 =	sld [smem:$0x3F9F]  }
0x1a: {  	s8 =	sadd.s32 $0xFFFFE003, lr  }
0x1b: {  	s9 =	sadd.s32 $0xFFFFFEF7, lr;
	s5 =	simm.s32 $0xFFFFFFFF;
	p2 =	slt.u32 s8, $0xFFFFF086  }
0x1c: {  	p1 =	slt.u32 s9, $0xF7A;
	s5 =	simm.s32 @!p2 $0x0  }
0x1d: {  	s5 =	simm.s32 @p1 $0x1;
	p0 =	seq.s32 s7, s2  }
0x1e: {  	s7 =	smul.u32 @!p0 $0xF7A, s2;
	p2 =	seq.s32 @!p0 s5, $0x0  }
0x1f: {  	s9 =	smul.u32 $0xF7A, s1;
	s8 =	simm.s32 @!p0 $0x1BF5;
	p2 =	por !p2, p0  }
0x20: {  	[sflag:s8] =	ssyncset.s32 @!p0 $0xFFFFF086;
	s6 =	sadd.s32 @!p0 s3, s7;
	s7 =	simm.s32 @!p0 $0x108  }
0x21: {  	s3 =	sadd.s32 s3, s9;
	s6 =	sadd.s32 @!p0 $0x88, s6;
	s7 =	simm.s32 @p2 $0x1082  }
0x22: {  	[simem:s7], [sflag:s8] =	dma.local @!p0 [hbm:s6], $0xF7A  }
0x23: {  	s9 =	sor.u32 $0xD0000000, s2;
	s6 =	simm.s32 $0x108;
	_ =	swait.ge @!p0 [sflag:s8], $0x0  }
0x24: {  	s3 =	sadd.s32 $0x88, s3;
	s6 =	simm.s32 @!p1 $0x1082;
	[sflag:s4] =	ssyncset.s32 $0xFFFFF086  }
0x25: {  	[simem:s6], [sflag:s4] =	dma.local [hbm:s3], $0xF7A  }
0x26: {  	[smem:$0x3F9F] =	sst s1;
	(tag) =	ssettag s2;
	_ =	strace s9  }
0x27: {  	s1 =	sld [smem:$0x3FAF]  }
0x28: {  	s2 =	sld [smem:$0x3FB0]  }
0x29: {  	s4 =	sld [smem:$0x3FB2]  }
0x2a: {  	p0 =	seq.s32 s5, $0x0;
	s5 =	sld [smem:$0x3FB3]  }
0x2b: {  	s6 =	sld [smem:$0x3FB4]  }
0x2c: {  	s7 =	sld [smem:$0x3FB5]  }
0x2d: {  	s3 =	simm.s32 $0x108;
	s8 =	sld [smem:$0x3FB6]  }
0x2e: {  	s3 =	simm.s32 @!p0 $0x1082;
	s9 =	sld [smem:$0x3FB7]  }
0x2f: {  	lr =	sadd.s32 s0, s3;
	s0 =	sld [smem:$0x3FAE]  }
0x30: {  	s3 =	sld [smem:$0x3FB1]  }
0x31: {  	[smem:$0x3FBA] =	sst s10  }
0x32: {  	s10 =	sld [smem:$0x3FB8];
	_ =	sdelay $0x3  }
0x33: {  	p0 =	seq.s32 s10, $0x1;
	s10 =	sld [smem:$0x3FBA];
	_ =	sdelay $0x3  }
0x34: {  	[smem:$0x3FBA] =	sst s10  }
0x35: {  	s10 =	sld [smem:$0x3FB9];
	_ =	sdelay $0x3  }
0x36: {  	p1 =	seq.s32 s10, $0x1;
	s10 =	sld [smem:$0x3FBA];
	_ =	sdelay $0x3  }
0x37: {  	[smem:$0x3FBA] =	sst s10  }
0x38: {  	s10 =	sld [smem:$0x3FBB]  }
0x39: {  	_ = 	snop;
	(pc) =	sbr.ind lr, $3  }
0x3a: {  	_ = 	snop  }
0x3b: {  	_ = 	snop  }
0x3c: {  	p2 =	seq.s32 s10, $0x1;
	s10 =	sld [smem:$0x3FBA]  }
0x3d: {  	_ =	shalt  }
0x3e: {  	_ =	shalt  }
0x3f: {  	_ =	shalt  }
0x40: {  	_ =	shalt  }
0x41: {  	_ =	shalt  }
0x42: {  	_ =	shalt  }
0x43: {  	_ =	shalt  }
0x44: {  	_ =	shalt  }
0x45: {  	_ =	shalt  }
0x46: {  	_ =	shalt  }
0x47: {  	_ =	shalt  }
0x48: {  	_ =	shalt  }
0x49: {  	_ =	shalt  }
0x4a: {  	_ =	shalt  }
0x4b: {  	_ =	shalt  }
0x4c: {  	_ =	shalt  }
0x4d: {  	_ =	shalt  }
0x4e: {  	_ =	shalt  }
0x4f: {  	_ =	shalt  }
0x50: {  	_ =	shalt  }
0x51: {  	_ =	shalt  }
0x52: {  	_ =	shalt  }
0x53: {  	_ =	shalt  }
0x54: {  	_ =	shalt  }
0x55: {  	_ =	shalt  }
0x56: {  	_ =	shalt  }
0x57: {  	_ =	shalt  }
0x58: {  	_ =	shalt  }
0x59: {  	_ =	shalt  }
0x5a: {  	_ =	shalt  }
0x5b: {  	_ =	shalt  }
0x5c: {  	_ =	shalt  }
0x5d: {  	_ =	shalt  }
0x5e: {  	_ =	shalt  }
0x5f: {  	_ =	shalt  }
0x60: {  	_ =	shalt  }
0x61: {  	_ =	shalt  }
0x62: {  	_ =	shalt  }
0x63: {  	_ =	shalt  }
0x64: {  	_ =	shalt  }
0x65: {  	_ =	shalt  }
0x66: {  	_ =	shalt  }
0x67: {  	_ =	shalt  }
0x68: {  	_ =	shalt  }
0x69: {  	_ =	shalt  }
0x6a: {  	_ =	shalt  }
0x6b: {  	_ =	shalt  }
0x6c: {  	_ =	shalt  }
0x6d: {  	_ =	shalt  }
0x6e: {  	_ =	shalt  }
0x6f: {  	_ =	shalt  }
0x70: {  	_ =	shalt  }
0x71: {  	_ =	shalt  }
0x72: {  	_ =	shalt  }
0x73: {  	_ =	shalt  }
0x74: {  	_ =	shalt  }
0x75: {  	_ =	shalt  }
0x76: {  	_ =	shalt  }
0x77: {  	_ =	shalt  }
0x78: {  	_ =	shalt  }
0x79: {  	_ =	shalt  }
0x7a: {  	_ =	shalt  }
0x7b: {  	_ =	shalt  }
0x7c: {  	_ =	shalt  }
0x7d: {  	_ =	shalt  }
0x7e: {  	_ =	shalt  }
0x7f: {  	_ =	shalt  }
0x80: {  	_ =	shalt  }
0x81: {  	_ =	shalt  }
0x82: {  	_ =	shalt  }
0x83: {  	_ =	shalt  }
0x84: {  	_ =	shalt  }
0x85: {  	_ =	shalt  }
0x86: {  	_ =	shalt  }
0x87: {  	_ =	shalt  }
.Lfunc_end0:
.L_simem_size_0:
called_computation_lowered:
.L_overlay_start_0:
0x88: {  	s2 =	sld [smem:$0x3FD9]  }
0x89: {  	s3 =	sld [smem:$0x3FFE];
	_ =	sdelay $0x1  }
0x8a: {  	s1 =	srdreg.scid  }
0x8b: {  	s0 =	sand.u32 $0x1, s1  }
0x8c: {  	s14 =	sshll.u32 s0, $0xA;
	s2 =	sadd.s32 s3, s2  }
0x8d: {  	s2 =	sadd.s32 s2, s14  }
0x8e: {  	[smem:$0x3FC6] =	sst s2  }
0x8f: {  	_ = 	snop  }
0x90: {  	s2 =	sld [smem:$0x3FD0];
	_ =	sdelay $0x2  }
0x91: {  	s15 =	simm.s32 $0xA;
	s4 =	simm.s32 $0x10  }
0x92: {  	[smem:s4], [sflag:s15] =	dma.local [hbm:s2], $0x1  }
0x93: {  	_ =	swait.eq [sflag:s15], $0x1  }
0x94: {  	[sflag:s15] =	ssyncset.done $0x0  }
0x95: {  	[sflag:s15] =	ssyncadd.s32 $0xFFFFFFFF  }
0x96: {  	s16 =	sld [smem:$0x10];
	(tm) =	ssettm $0x1  }
0x97: {  	s17 =	sld [smem:$0x3FFB];
	_ =	sdelay $0x3  }
0x98: {  	_ =	strace s17  }
0x99: {  	s3 =	sld [smem:$0x3FFC];
	_ =	sdelay $0x3  }
0x9a: {  	_ =	strace s3  }
0x9b: {  	s3 =	sld [smem:$0x3FFD];
	_ =	sdelay $0x3  }
0x9c: {  	_ =	strace s3  }
0x9d: {  	_ =	strace $0x8FFFFFFF  }
0x9e: {  	s18 =	sld [smem:$0x3FDB];
	_ =	sdelay $0x1  }
0x9f: {  	s19 =	simm.s32 $_scs_section_size  }
0xa0: {  	s5 =	simm.s32 $_size__tile_overlayer_lowered;
	s6 =	simm.s32 $_tile_overlayer_lowered  }
0xa1: {  	s22 =	simm.s32 $0x1BFF;
	s21 =	sshll.u32 s6, $0x1;
	s3 =	sadd.s32 s19, s18  }
0xa2: {  	s7 =	simm.s32 $0x0;
	s20 =	sshll.u32 s5, $0x1;
	s5 =	sadd.s32 s21, s3  }
0xa3: {  	[timem:s7], [sflag:s22] =	dma.local [hbm:s5], s20  }
0xa4: {  	_ =	swait.ge [sflag:s22], s20  }
0xa5: {  	s4 =	ssub.s32 $0x0, s20;
	[sflag:s22] =	ssyncset.done $0x0  }
0xa6: {  	[sflag:s22] =	ssyncadd.s32 s4;
	_ =	sdelay $0x1  }
0xa7: {  	s23 =	simm.s32 $0x1B8B  }
0xa8: {  	_ =	swait.ge [sflag:s23], $0x1  }
0xa9: {  	[sflag:s23] =	ssyncset.done $0x0  }
0xaa: {  	s25 =	simm.s32 $0x1B8E;
	s24 =	sld [smem:$0x3FFE];
	[sflag:s23] =	ssyncadd.s32 $0xFFFFFFFF  }
0xab: {  	s26 =	simm.s32 $execute0_lowered;
	[smem:$0x3FD2] =	sst s25  }
0xac: {  	s5 =	sshll.u32 s26, $0x1;
	_ =	strace $0x80000046;
	[dreg:$0x1] =	wrdreg $0xFFFFFFFF  }
0xad: {  	s28 =	simm.s32 $_size_execute0_lowered;
	s3 =	sadd.s32 s3, s5;
	[dreg:$0x0] =	wrdreg $0x0  }
0xae: {  	s5 =	sshll.u32 s28, $0x1;
	[dreg:$0x2] =	wrdreg s3  }
0xaf: {  	[dreg:$0x3] =	wrdreg s5  }
0xb0: {  	[dreg:$0x4] =	wrdreg $0xC0  }
0xb1: {  	_ =	task [dreg:s7], $0x5FFFF  }
0xb2: {  	[dreg:$0x1] =	wrdreg $0xFFFFFFFF  }
0xb3: {  	[dreg:$0x0] =	wrdreg $0x60  }
0xb4: {  	[dreg:$0x2] =	wrdreg s16  }
0xb5: {  	[dreg:$0x3] =	wrdreg s24  }
0xb6: {  	[dreg:$0x4] =	wrdreg $0x9  }
0xb7: {  	_ =	task.clear_ibuf [dreg:s7], $0x5FFFF;
	_ =	strace $0x90000046  }
0xb8: {  	s29 =	simm.s32 $0x9;
	_ =	strace $0x80000048  }
0xb9: {  	_ =	swait.ge [sflag:s29], $0x1  }
0xba: {  	[sflag:s29] =	ssyncadd.s32 $0xFFFFFFFF  }
0xbb: {  	_ =	strace $0x90000048  }
0xbc: {  	_ =	sfence  }
0xbd: {  	s30 =	sld [smem:$0x0];
	_ =	sdelay $0x2  }
0xbe: {  	s31 =	sshll.u32 s1, $0xD;
	s1 =	sshrl.u32 s1, $0x2  }
0xbf: {  	s3 =	sand.u32 $0x4000, s31;
	s1 =	sadd.s32 s1, s30  }
0xc0: {  	s0 =	sor.u32 s3, s0;
	s1 =	sshll.u32 s1, $0x11  }
0xc1: {  	s0 =	sor.u32 s1, s0  }
0xc2: {  	s0 =	sadd.s32 $0x8F2B, s0  }
0xc3: {  	[sflag:s0] =	ssyncadd.remote.s32 $0x1  }
0xc4: {  	_ =	sfence.sel $0xFFFF  }
0xc5: {  	[dreg:$0x0] =	wrdreg $0xFFFFFFFF;
	(pc) =	sbr.abs _section_cstart, $3  }
0xc6: {  	[dreg:$0x1] =	wrdreg $0xFFFFFFFF  }
0xc7: {  	_ =	task.clear_ibuf [dreg:s7], $0x2FFFF;
	_ =	strace $0x9FFFFFFF  }
0xc8: {  	(tm) =	ssettm $0x7FFFFFFF  }
0xc9: {  	_ =	shalt  }
tec
execute0_lowered:
.L_overlay_start_1:
0x0: {  	(tag) =	ssettag $0x1  }
0x1: {  	s1 =	srdreg.scid;
	s2 =	rddreg [dreg:$0x0]  }
0x2: {  	s0 =	stileid.u32;
	s8 =	rddreg [dreg:$0x1];
	s6 =	sand.u32 $0x1, s1  }
0x3: {  	s3 =	simm.s32 $0x0;
	s4 =	sshll.u32 s0, $0x9;
	s5 =	sshll.u32 s6, $0x8  }
0x4: {  	s7 =	simm.s32 $0x1;
	[smem:$0x7FF] =	sst s3;
	s9 =	sor.u32 s5, s4  }
0x5: {  	s1 =	rddreg [dreg:$0x2];
	_ =	strace $0x80000047;
	s4 =	sshrl.u32 s9, $0x3  }
0x6: {  	s10 =	ssub.s32 $0x2, s6;
	s5 =	sadd.s32 s8, s4;
	s4 =	simm.s32 $0x2  }
0x7: {  	[tilespmem:s3], [sflag:$0x2] =	stream.linear.gather [hbm4b:s5+s3], $0x100, $0x38;
	[tilespmem:$0x2100] =	vst v63  }
0x8: {  	s6 =	simm.s32 $0x100;
	s11 =	sshrl.u32 s10, $0x1;
	_ =	swait.ge [sflag:s4], $0x100  }
0x9: {  	s9 =	sshll.u32 s9, $0x2;
	s31 =	ssub.s32 s10, s11;
	[sflag:s4] =	ssyncset.done $0x0  }
0xa: {  	s8 =	sadd.s32 s9, s8;
	s9 =	smax.u32 s31, $0x1;
	[sflag:s4] =	ssyncadd.s32 $0xFFFFFF00  }
0xb: {  	[tilespmem:s6], [sflag:$0x1] =	stream.indirect.gather [hbm4b:s2+s6], $0x20, s3, s6, $0xb8;
	[tilespmem:$0x2100] =	vst v63  }
0xc: {  	p0 =	sne.s32 s9, $0x1;
	_ =	swait.ge [sflag:s7], $0x2000  }
.Ltmp0:
0xd: {  	[sflag:s7] =	ssyncset.done $0x0;
	(pc) =	sbr.rel @!p0 .LBB2_2-.Ltmp0, $4  }
0xe: {  	s8 =	sadd.s32 $0x400, s8;
	[sflag:s7] =	ssyncadd.s32 $0xFFFFE000  }
0xf: {  	[hbm4b:s8+s3] =	stream.linear.scatter [tilespmem:s6], [sflag:$0x2], $0x2000, $0x38;
	[tilespmem:$0x2100] =	vst v63  }
0x10: {  	_ =	swait.ge [sflag:s4], $0x2000  }
0x11: {  	s9 =	sadd.s32 $0xFFFFFFFF, s9;
	[sflag:s4] =	ssyncset.done $0x0  }
.LBB2_1:
0x12: {  	p0 =	sne.s32 s9, $0x1;
	s9 =	sadd.s32 $0xFFFFFFFF, s9;
	[sflag:s4] =	ssyncadd.s32 $0xFFFFE000  }
0x13: {  	[tilespmem:s3], [sflag:$0x2] =	stream.linear.gather [hbm4b:s5+s3], $0x100, $0x38;
	[tilespmem:$0x2100] =	vst v63  }
0x14: {  	_ =	swait.ge [sflag:s4], $0x100  }
0x15: {  	[sflag:s4] =	ssyncset.done $0x0  }
0x16: {  	[sflag:s4] =	ssyncadd.s32 $0xFFFFFF00  }
0x17: {  	[tilespmem:s6], [sflag:$0x1] =	stream.indirect.gather [hbm4b:s2+s6], $0x20, s3, s6, $0xb8;
	[tilespmem:$0x2100] =	vst v63  }
0x18: {  	_ =	swait.ge [sflag:s7], $0x2000  }
.Ltmp1:
0x19: {  	[sflag:s7] =	ssyncset.done $0x0;
	(pc) =	sbr.rel @p0 .LBB2_1-.Ltmp1, $4  }
0x1a: {  	[sflag:s7] =	ssyncadd.s32 $0xFFFFE000  }
0x1b: {  	[hbm4b:s8+s3] =	stream.linear.scatter [tilespmem:s6], [sflag:$0x2], $0x2000, $0x38;
	[tilespmem:$0x2100] =	vst v63  }
0x1c: {  	_ =	swait.ge [sflag:s4], $0x2000  }
0x1d: {  	[sflag:s4] =	ssyncset.done $0x0  }
.LBB2_2:
0x1e: {  	[sflag:s4] =	ssyncadd.s32 $0xFFFFE000  }
0x1f: {  	_ =	sfence.sel $0x180000  }
0x20: {  	[bflag:$0x0] =	sbarrier.arrive $0xFFFF  }
0x21: {  	p0 =	sne.s32 s0, $0x0;
	_ =	strace $0x90000047  }
0x22: {  	s0 =	sadd.s32 @!p0 $0x100000, s1;
	[bflag:$0x2] =	sbarrier.arrive $0xFFFF  }
0x23: {  	[sflag:s0] =	ssyncadd.tile.s32 @!p0 $0x1;
	_ =	shalt  }
.Lfunc_end2:
_tile_overlayer_lowered:
.L_overlay_start_2:
0x24: {  	(tag) =	ssettag $0x2  }
0x25: {  	s0 =	rddreg [dreg:$0x0];
	s2 =	stileid.u32  }
0x26: {  	s1 =	rddreg [dreg:$0x1];
	p0 =	sne.s32 s2, $0x0  }
0x27: {  	s3 =	rddreg [dreg:$0x2];
	[bflag:$0x3] =	sbarrier.arrive $0xFFFF;
	s2 =	simm.s32 @!p0 $0x1C02  }
0x28: {  	[timem:s3], [sflag:s2] =	dma.local @!p0 [hbm:s0], s1  }
0x29: {  	s0 =	simm.s32 @!p0 $0x2  }
0x2a: {  	_ =	swait.ge @!p0 [sflag:s0], s1  }
0x2b: {  	s1 =	ssub.s32 @!p0 $0x0, s1;
	[sflag:s0] =	ssyncset.done @!p0 $0x0  }
0x2c: {  	[sflag:s0] =	ssyncadd.s32 @!p0 s1  }
0x2d: {  	[bflag:$0x3] =	sbarrier.arrive $0xFFFF  }
0x2e: {  	_ =	shalt  }

</sc_bundles>
